<compile_context>
chip_gen: v7x
topology: tpu7x:2x2x1
jax: 0.10.2.dev20260603
libtpu: 0.0.44.dev20260713+nightly
codegen_flags: <defaults>
</compile_context>

<pallas_src>
import functools

import jax
import jax.numpy as jnp
import numpy as np
from jax import lax
from jax.experimental import pallas as pl
from jax.experimental.pallas import tpu as pltpu
from jax.experimental.pallas import tpu_sc as plsc

MARGIN_MIN = 0.2
MARGIN_MAX = 0.5
B = 4096
D = 256
BLK = 512
NB = B // BLK
CH = 128
NCH = B // CH

def _np_uniform(n, seed):
    k1 = np.uint32(seed >> 32)
    k2 = np.uint32(seed & 0xFFFFFFFF)
    x0 = np.zeros(n, np.uint32)
    x1 = np.arange(n, dtype=np.uint32)
    rot0 = (13, 15, 26, 6)
    rot1 = (17, 29, 16, 24)
    ks = (k1, k2, np.uint32(k1 ^ k2 ^ np.uint32(0x1BD11BDA)))
    sched = ((rot0, ks[1], ks[2], 1), (rot1, ks[2], ks[0], 2),
             (rot0, ks[0], ks[1], 3), (rot1, ks[1], ks[2], 4),
             (rot0, ks[2], ks[0], 5))
    with np.errstate(over='ignore'):
        x0 = (x0 + ks[0]).astype(np.uint32)
        x1 = (x1 + ks[1]).astype(np.uint32)
        for rots, a0, a1, inc in sched:
            for r in rots:
                x0 = (x0 + x1).astype(np.uint32)
                x1 = ((x1 << np.uint32(r))
                      | (x1 >> np.uint32(32 - r))).astype(np.uint32)
                x1 = (x0 ^ x1).astype(np.uint32)
            x0 = (x0 + a0).astype(np.uint32)
            x1 = (x1 + a1 + np.uint32(inc)).astype(np.uint32)
    bits = (x0 ^ x1).astype(np.uint32)
    fb = (bits >> np.uint32(9)) | np.uint32(0x3F800000)
    return fb.view(np.float32) - np.float32(1.0)


_U = _np_uniform(B, 42).reshape(B, 1)
_ar = np.arange(CH)
_TRI = (_ar[:, None] <= _ar[None, :]).astype(jnp.bfloat16)
_jb = np.arange(B)
_E = (_jb[:, None] // CH == np.arange(NCH)[None, :]).astype(jnp.bfloat16)
_LT32 = (np.arange(NCH)[:, None] < np.arange(NCH)[None, :]).astype(
    jnp.bfloat16)
_COLF = _jb[None, :].astype(np.float32)


def _mine_body(t_ref, v_ref, vb_ref, u_ref, tri_ref, e_ref, lt32_ref,
               colf_ref, out_ref):
    i = pl.program_id(0)
    t = t_ref[...]
    v = v_ref[...]
    vb = vb_ref[...]
    s = lax.dot_general(
        t, v, (((1,), (1,)), ((), ())),
        preferred_element_type=jnp.float32)
    diag = jnp.sum(t * vb, axis=1, keepdims=True)
    bandm = (s > diag - MARGIN_MAX) & (s < diag - MARGIN_MIN)
    bf = bandm.astype(jnp.bfloat16)
    c_all = lax.dot_general(bf, e_ref[...], (((1,), (0,)), ((), ())),
                            preferred_element_type=jnp.float32)
    count = jnp.sum(c_all, axis=1, keepdims=True)
    pbs = lax.dot_general(c_all.astype(jnp.bfloat16), lt32_ref[...],
                          (((1,), (0,)), ((), ())),
                          preferred_element_type=jnp.float32)
    u = u_ref[...]
    k1 = jnp.floor(u * jnp.maximum(count, 1.0)) + 1.0
    th = k1 - pbs
    tri = tri_ref[...]
    acc = jnp.zeros((BLK, CH), jnp.float32)
    for m in range(NCH):
        sl = slice(m * CH, (m + 1) * CH)
        lm = lax.dot_general(
            bf[:, sl], tri, (((1,), (0,)), ((), ())),
            preferred_element_type=jnp.float32)
        acc += jnp.where(lm < th[:, m:m + 1], 1.0, 0.0)
    cand = jnp.sum(acc, axis=1, keepdims=True)
    cand = jnp.where(cand >= float(B), 0.0, cand)
    rowf = (lax.broadcasted_iota(jnp.int32, (BLK, 1), 0)
            + i * BLK).astype(jnp.float32)
    colf = colf_ref[...]
    smask = jnp.where(colf == rowf, -3.0e38, s)
    maxv = jnp.max(smask, axis=1, keepdims=True)
    fb = jnp.min(jnp.where(smask >= maxv, colf, float(B)),
                 axis=1, keepdims=True)
    out_ref[...] = jnp.where(count > 0.0, cand, fb).astype(jnp.int32)


def _mine(t_uni, v_uni, u2):
    return pl.pallas_call(
        _mine_body,
        grid=(NB,),
        in_specs=[
            pl.BlockSpec((BLK, D), lambda i: (i, 0)),
            pl.BlockSpec((B, D), lambda i: (0, 0)),
            pl.BlockSpec((BLK, D), lambda i: (i, 0)),
            pl.BlockSpec((BLK, 1), lambda i: (i, 0)),
            pl.BlockSpec((CH, CH), lambda i: (0, 0)),
            pl.BlockSpec((B, NCH), lambda i: (0, 0)),
            pl.BlockSpec((NCH, NCH), lambda i: (0, 0)),
            pl.BlockSpec((1, B), lambda i: (0, 0)),
        ],
        out_specs=pl.BlockSpec((BLK, 1), lambda i: (i, 0)),
        out_shape=jax.ShapeDtypeStruct((B, 1), jnp.int32),
    )(t_uni, v_uni, v_uni, u2, _TRI, _E, _LT32, _COLF)


def _gather(table, idx):
    info = plsc.get_sparse_core_info()
    nw = info.num_cores * info.num_subcores
    bpw = B // nw
    mesh = plsc.VectorSubcoreMesh(core_axis_name="c", subcore_axis_name="s")

    @functools.partial(
        pl.kernel, mesh=mesh,
        out_type=jax.ShapeDtypeStruct((B, D), jnp.float32),
        scratch_types=[
            pltpu.VMEM((bpw,), jnp.int32),
            pltpu.VMEM((bpw, D), jnp.float32),
            pltpu.SemaphoreType.DMA,
        ],
    )
    def k(table_hbm, idx_hbm, out_hbm, idx_v, rows_v, sem):
        wid = lax.axis_index("s") * info.num_cores + lax.axis_index("c")
        base = wid * bpw
        pltpu.sync_copy(idx_hbm.at[pl.ds(base, bpw)], idx_v)
        pltpu.async_copy(table_hbm.at[idx_v], rows_v, sem).wait()
        pltpu.sync_copy(rows_v, out_hbm.at[pl.ds(base, bpw)])

    return k(table, idx)


def _head_body(tc_ref, vc_ref, vn_ref, w1_ref, b1_ref, w2_ref, b2_ref,
               out_ref):
    i = pl.program_id(0)
    tc = tc_ref[...]
    vc = vc_ref[...]
    vn = vn_ref[...]
    w1t = w1_ref[0:D, :]
    w1v = w1_ref[D:2 * D, :]
    w1d = w1_ref[2 * D:2 * D + 1, :]
    b1 = b1_ref[...]
    w2 = w2_ref[...]
    b2 = b2_ref[...]
    a = lax.dot_general(tc, w1t, (((1,), (0,)), ((), ())),
                        preferred_element_type=jnp.float32)
    pv = lax.dot_general(vc, w1v, (((1,), (0,)), ((), ())),
                         preferred_element_type=jnp.float32)
    nv = lax.dot_general(vn, w1v, (((1,), (0,)), ((), ())),
                         preferred_element_type=jnp.float32)
    dot_pos = jnp.sum(vc * tc, axis=1, keepdims=True)
    dot_neg = jnp.sum(vn * tc, axis=1, keepdims=True)
    hp = jnp.maximum(a + pv + dot_pos * w1d + b1, 0.0)
    hn = jnp.maximum(a + nv + dot_neg * w1d + b1, 0.0)
    lp = lax.dot_general(hp, w2, (((1,), (0,)), ((), ())),
                         preferred_element_type=jnp.float32) + b2
    ln = lax.dot_general(hn, w2, (((1,), (0,)), ((), ())),
                         preferred_element_type=jnp.float32) + b2
    sp = 1.0 / (1.0 + jnp.exp(-lp))
    sn = 1.0 / (1.0 + jnp.exp(-ln))
    terms = jnp.log(sp + 1e-8) + jnp.log(1.0 - sn + 1e-8)
    p = jnp.sum(terms, axis=0, keepdims=True)

    @pl.when(i == 0)
    def _():
        out_ref[...] = jnp.zeros_like(out_ref)

    out_ref[...] += p

    @pl.when(i == NB - 1)
    def _():
        out_ref[...] = out_ref[...] * (-1.0 / (2.0 * B))


def _head(tc, vc, vn, W1, b1r, W2, b2r):
    return pl.pallas_call(
        _head_body,
        grid=(NB,),
        in_specs=[
            pl.BlockSpec((BLK, D), lambda i: (i, 0)),
            pl.BlockSpec((BLK, D), lambda i: (i, 0)),
            pl.BlockSpec((BLK, D), lambda i: (i, 0)),
            pl.BlockSpec((2 * D + 1, D), lambda i: (0, 0)),
            pl.BlockSpec((1, D), lambda i: (0, 0)),
            pl.BlockSpec((D, 1), lambda i: (0, 0)),
            pl.BlockSpec((1, 1), lambda i: (0, 0)),
        ],
        out_specs=pl.BlockSpec((1, 1), lambda i: (0, 0)),
        out_shape=jax.ShapeDtypeStruct((1, 1), jnp.float32),
    )(tc, vc, vn, W1, b1r, W2, b2r)


def kernel(vision_embeds_cross, text_embeds_cross, vision_embeds_uni,
           text_embeds_uni, W1, b1, W2, b2):
    neg_idx = _mine(text_embeds_uni, vision_embeds_uni, _U).reshape(B)
    vision_neg = _gather(vision_embeds_cross, neg_idx)
    out = _head(text_embeds_cross, vision_embeds_cross, vision_neg,
                W1, b1.reshape(1, D), W2, b2.reshape(1, 1))
    return out[0, 0]

# --- scband reference (transcript-rebuilt; emitter-appended) ---
"""Pipeline reference for scband-itmloss-16097537425576 (READ-ONLY COPY).

The authoritative reference and input builder live on the scoring server;
editing this copy changes nothing except your own understanding.
"""

import jax, jax.numpy as jnp
import numpy as np

MARGIN_MIN = 0.2
MARGIN_MAX = 0.5
B = 4096
D = 256


def setup_inputs(seed: int = 0) -> dict:
    key = jax.random.key(seed)
    k1, k2, k3, k4, k5, k6 = jax.random.split(key, 6)
    vision_embeds_cross = jax.random.normal(k1, (B, D), dtype=jnp.float32)
    text_embeds_cross = jax.random.normal(k2, (B, D), dtype=jnp.float32)
    vision_embeds_uni = jax.random.normal(k3, (B, D), dtype=jnp.float32)
    text_embeds_uni = jax.random.normal(k4, (B, D), dtype=jnp.float32)
    # itm_head params: Linear(2D+1 -> D), ReLU, Dropout(eval=identity), Linear(D -> 1)
    W1 = jax.random.normal(k5, (2 * D + 1, D), dtype=jnp.float32) * 0.02
    b1 = jnp.zeros((D,), dtype=jnp.float32)
    W2 = jax.random.normal(k6, (D, 1), dtype=jnp.float32) * 0.02
    b2 = jnp.zeros((1,), dtype=jnp.float32)
    return {
        'vision_embeds_cross': vision_embeds_cross,
        'text_embeds_cross': text_embeds_cross,
        'vision_embeds_uni': vision_embeds_uni,
        'text_embeds_uni': text_embeds_uni,
        'W1': W1, 'b1': b1, 'W2': W2, 'b2': b2,
    }


def _mine_negatives(text_embeds_uni, vision_embeds_uni):
    # Semi-hard negative mining: S_ii - m_max < S_ij < S_ii - m_min
    n = text_embeds_uni.shape[0]
    S = text_embeds_uni @ vision_embeds_uni.T
    S_diag = jnp.diagonal(S)
    band = (S > S_diag[:, None] - MARGIN_MAX) & (S < S_diag[:, None] - MARGIN_MIN)
    eye = jnp.eye(n, dtype=bool)
    band = band & (~eye)
    count = band.sum(axis=1)
    # random pick among candidates (fixed key reference implementation)
    u = jax.random.uniform(jax.random.key(42), (n,))
    k = jnp.floor(u * jnp.maximum(count, 1).astype(jnp.float32)).astype(jnp.int32)
    cs = jnp.cumsum(band.astype(jnp.int32), axis=1) - 1
    cand_sel = jnp.argmax((cs == k[:, None]) & band, axis=1)
    # fallback: hardest negative (argmax over off-diagonal)
    S_masked = jnp.where(eye, -jnp.inf, S)
    fallback = jnp.argmax(S_masked, axis=1)
    neg_idx = jnp.where(count > 0, cand_sel, fallback)
    return neg_idx


def _itm_head(x, W1, b1, W2, b2):
    h = jnp.maximum(x @ W1 + b1, 0.0)  # Dropout is identity in eval
    return (h @ W2 + b2)[:, 0]


def reference(vision_embeds_cross, text_embeds_cross, vision_embeds_uni, text_embeds_uni, W1, b1, W2, b2):
    neg_idx = _mine_negatives(text_embeds_uni, vision_embeds_uni)
    dot_pos = jnp.sum(vision_embeds_cross * text_embeds_cross, axis=-1, keepdims=True)
    concat_pos = jnp.concatenate([text_embeds_cross, vision_embeds_cross, dot_pos], axis=-1)
    logits_pos = _itm_head(concat_pos, W1, b1, W2, b2)
    vision_neg = jnp.take(vision_embeds_cross, neg_idx, axis=0)
    dot_neg = jnp.sum(vision_neg * text_embeds_cross, axis=-1, keepdims=True)
    concat_neg = jnp.concatenate([text_embeds_cross, vision_neg, dot_neg], axis=-1)
    logits_neg = _itm_head(concat_neg, W1, b1, W2, b2)
    pos_loss = -jnp.mean(jnp.log(jax.nn.sigmoid(logits_pos) + 1e-08))
    neg_loss = -jnp.mean(jnp.log(1.0 - jax.nn.sigmoid(logits_neg) + 1e-08))
    return (pos_loss + neg_loss) / 2.0

if __name__ == "__main__":
    import jax
    _d = setup_inputs()
    print(jax.jit(kernel)(*tuple(_d.values())))

</pallas_src>

<mosaic_0001>
#map = affine_map<(d0, d1) -> (0, 0)>
#map1 = affine_map<(d0, d1) -> (0)>
module attributes {stable_mosaic.version = 14 : i64} {
  func.func @k(%arg0: i32, %arg1: i32, %arg2: memref<4096x256xf32, #tpu.memory_space<hbm>>, %arg3: memref<4096xi32, #tpu.memory_space<hbm>>, %arg4: memref<4096x256xf32, #tpu.memory_space<hbm>>, %arg5: memref<128xi32, #tpu.memory_space<vmem>>, %arg6: memref<128x256xf32, #tpu.memory_space<vmem>>, %arg7: memref<!tpu.dma_semaphore, #tpu.memory_space<semaphore_mem>>) attributes {dimension_semantics = [#tpu.dimension_semantics<core_parallel>, #tpu.dimension_semantics<subcore_parallel>], iteration_bounds = array<i64: 2, 16>, scalar_prefetch = 0 : i64, scratch_operands = 3 : i64, tpu.core_type = #tpu.core_type<sc_vector_subcore>, window_params = [{transform_indices = #map}, {transform_indices = #map1}, {transform_indices = #map}]} {
    %mul3A = arith.constant 2 : i32
    %mul3A_0 = arith.muli %arg1, %mul3A : i32
    %add3A = arith.addi %mul3A_0, %arg0 : i32
    %mul3A_1 = arith.constant 128 : i32
    %mul3A_2 = arith.muli %add3A, %mul3A_1 : i32
    "tpu.region"() ({
      %run_scoped3A = tpu.sem_alloc : memref<!tpu.dma_semaphore, #tpu.memory_space<semaphore_mem>>
      %dma_start3A_7 = tpu.memref_slice %arg3[%mul3A_2] : memref<4096xi32, #tpu.memory_space<hbm>> -> memref<128xi32, #tpu.memory_space<hbm>>
      %dma_start3A_8 = tpu.memref_slice %arg3[%mul3A_2] : memref<4096xi32, #tpu.memory_space<hbm>> -> memref<128xi32, #tpu.memory_space<hbm>>
      tpu.enqueue_dma source(%dma_start3A_8 : memref<128xi32, #tpu.memory_space<hbm>>) target(%arg5 : memref<128xi32, #tpu.memory_space<vmem>>) target_semaphore(%run_scoped3A : memref<!tpu.dma_semaphore, #tpu.memory_space<semaphore_mem>>)
      %dma_wait3A_9 = tpu.memref_slice %arg3[%mul3A_2] : memref<4096xi32, #tpu.memory_space<hbm>> -> memref<128xi32, #tpu.memory_space<hbm>>
      %dma_wait3A_10 = tpu.memref_slice %arg3[%mul3A_2] : memref<4096xi32, #tpu.memory_space<hbm>> -> memref<128xi32, #tpu.memory_space<hbm>>
      tpu.wait_dma2 semaphore(%run_scoped3A : memref<!tpu.dma_semaphore, #tpu.memory_space<semaphore_mem>>) src(%dma_wait3A_10 : memref<128xi32, #tpu.memory_space<hbm>>) dst(%arg5 : memref<128xi32, #tpu.memory_space<vmem>>)
      tpu.yield
    }) : () -> ()
    %dma_start3A = arith.constant 0 : i32
    %dma_start3A_3 = arith.constant 0 : i32
    %dma_start3A_4 = tpu.memref_slice %arg2[%dma_start3A, %dma_start3A_3] : memref<4096x256xf32, #tpu.memory_space<hbm>> -> memref<4096x256xf32, #tpu.memory_space<hbm>>
    tpu.enqueue_indirect_dma source(%dma_start3A_4 : memref<4096x256xf32, #tpu.memory_space<hbm>>) target(%arg6 : memref<128x256xf32, #tpu.memory_space<vmem>>) offsets(%arg5 : memref<128xi32, #tpu.memory_space<vmem>>) semaphore(%arg7 : memref<!tpu.dma_semaphore, #tpu.memory_space<semaphore_mem>>)
    %dma_wait3A = arith.constant 0 : i32
    %dma_wait3A_5 = arith.constant 0 : i32
    %dma_wait3A_6 = tpu.memref_slice %arg2[%dma_wait3A, %dma_wait3A_5] : memref<4096x256xf32, #tpu.memory_space<hbm>> -> memref<4096x256xf32, #tpu.memory_space<hbm>>
    tpu.wait_indirect_dma semaphore(%arg7 : memref<!tpu.dma_semaphore, #tpu.memory_space<semaphore_mem>>) src(%dma_wait3A_6 : memref<4096x256xf32, #tpu.memory_space<hbm>>) dst(%arg6 : memref<128x256xf32, #tpu.memory_space<vmem>>)
    "tpu.region"() ({
      %run_scoped3A = tpu.sem_alloc : memref<!tpu.dma_semaphore, #tpu.memory_space<semaphore_mem>>
      %dma_start3A_7 = arith.constant 0 : i32
      %dma_start3A_8 = tpu.memref_slice %arg4[%mul3A_2, %dma_start3A_7] : memref<4096x256xf32, #tpu.memory_space<hbm>> -> memref<128x256xf32, #tpu.memory_space<hbm>>
      %dma_start3A_9 = arith.constant 0 : i32
      %dma_start3A_10 = tpu.memref_slice %arg4[%mul3A_2, %dma_start3A_9] : memref<4096x256xf32, #tpu.memory_space<hbm>> -> memref<128x256xf32, #tpu.memory_space<hbm>>
      tpu.enqueue_dma source(%arg6 : memref<128x256xf32, #tpu.memory_space<vmem>>) target(%dma_start3A_10 : memref<128x256xf32, #tpu.memory_space<hbm>>) target_semaphore(%run_scoped3A : memref<!tpu.dma_semaphore, #tpu.memory_space<semaphore_mem>>)
      %dma_wait3A_11 = arith.constant 0 : i32
      %dma_wait3A_12 = tpu.memref_slice %arg4[%mul3A_2, %dma_wait3A_11] : memref<4096x256xf32, #tpu.memory_space<hbm>> -> memref<128x256xf32, #tpu.memory_space<hbm>>
      %dma_wait3A_13 = arith.constant 0 : i32
      %dma_wait3A_14 = tpu.memref_slice %arg4[%mul3A_2, %dma_wait3A_13] : memref<4096x256xf32, #tpu.memory_space<hbm>> -> memref<128x256xf32, #tpu.memory_space<hbm>>
      tpu.wait_dma2 semaphore(%run_scoped3A : memref<!tpu.dma_semaphore, #tpu.memory_space<semaphore_mem>>) src(%arg6 : memref<128x256xf32, #tpu.memory_space<vmem>>) dst(%dma_wait3A_14 : memref<128x256xf32, #tpu.memory_space<hbm>>)
      tpu.yield
    }) : () -> ()
    return
  }
}

module attributes {stable_mosaic.version = 14 : i64} {
  func.func @_head_body(%arg0: i32, %arg1: memref<512x256xf32, #tpu.memory_space<vmem>>, %arg2: memref<512x256xf32, #tpu.memory_space<vmem>>, %arg3: memref<512x256xf32, #tpu.memory_space<vmem>>, %arg4: memref<513x256xf32, #tpu.memory_space<vmem>>, %arg5: memref<1x256xf32, #tpu.memory_space<vmem>>, %arg6: memref<256x1xf32, #tpu.memory_space<vmem>>, %arg7: memref<1x1xf32, #tpu.memory_space<vmem>>, %arg8: memref<1x1xf32, #tpu.memory_space<vmem>>) attributes {dimension_semantics = [#tpu.dimension_semantics<arbitrary>], iteration_bounds = array<i64: 8>, scalar_prefetch = 0 : i64, scratch_operands = 0 : i64, tpu.core_type = #tpu.core_type<tc>, window_params = [{transform_indices = @transform_0, window_bounds = array<i64: 512, 256>}, {transform_indices = @transform_1, window_bounds = array<i64: 512, 256>}, {transform_indices = @transform_2, window_bounds = array<i64: 512, 256>}, {pipeline_mode = #tpu.pipeline_mode<synchronous>, transform_indices = @transform_3, window_bounds = array<i64: 513, 256>}, {pipeline_mode = #tpu.pipeline_mode<synchronous>, transform_indices = @transform_4, window_bounds = array<i64: 1, 256>}, {pipeline_mode = #tpu.pipeline_mode<synchronous>, transform_indices = @transform_5, window_bounds = array<i64: 256, 1>}, {pipeline_mode = #tpu.pipeline_mode<synchronous>, transform_indices = @transform_6, window_bounds = array<i64: 1, 1>}, {pipeline_mode = #tpu.pipeline_mode<synchronous>, transform_indices = @transform_7, window_bounds = array<i64: 1, 1>}]} {
    %get3A = arith.constant 0 : index
    %get3A_0 = arith.constant 0 : index
    %get3A_1 = vector.load %arg1[%get3A, %get3A_0] : memref<512x256xf32, #tpu.memory_space<vmem>>, vector<512x256xf32>
    %get3A_2 = arith.constant 0 : index
    %get3A_3 = arith.constant 0 : index
    %get3A_4 = vector.load %arg2[%get3A_2, %get3A_3] : memref<512x256xf32, #tpu.memory_space<vmem>>, vector<512x256xf32>
    %get3A_5 = arith.constant 0 : index
    %get3A_6 = arith.constant 0 : index
    %get3A_7 = vector.load %arg3[%get3A_5, %get3A_6] : memref<512x256xf32, #tpu.memory_space<vmem>>, vector<512x256xf32>
    %get3A_8 = arith.constant 0 : index
    %get3A_9 = arith.constant 0 : index
    %get3A_10 = vector.load %arg4[%get3A_8, %get3A_9] : memref<513x256xf32, #tpu.memory_space<vmem>>, vector<256x256xf32>
    %get3A_11 = arith.constant 256 : index
    %get3A_12 = arith.constant 0 : index
    %get3A_13 = vector.load %arg4[%get3A_11, %get3A_12] : memref<513x256xf32, #tpu.memory_space<vmem>>, vector<256x256xf32>
    %get3A_14 = arith.constant 512 : index
    %get3A_15 = arith.constant 0 : index
    %get3A_16 = vector.load %arg4[%get3A_14, %get3A_15] : memref<513x256xf32, #tpu.memory_space<vmem>>, vector<1x256xf32>
    %get3A_17 = arith.constant 0 : index
    %get3A_18 = arith.constant 0 : index
    %get3A_19 = vector.load %arg5[%get3A_17, %get3A_18] : memref<1x256xf32, #tpu.memory_space<vmem>>, vector<1x256xf32>
    %get3A_20 = arith.constant 0 : index
    %get3A_21 = arith.constant 0 : index
    %get3A_22 = vector.load %arg6[%get3A_20, %get3A_21] : memref<256x1xf32, #tpu.memory_space<vmem>>, vector<256x1xf32>
    %get3A_23 = arith.constant 0 : index
    %get3A_24 = arith.constant 0 : index
    %get3A_25 = vector.load %arg7[%get3A_23, %get3A_24] : memref<1x1xf32, #tpu.memory_space<vmem>>, vector<1x1xf32>
    %dot_general3A = arith.constant dense<0.000000e+00> : vector<512x256xf32>
    %dot_general3A_26 = tpu.matmul %get3A_1, %get3A_10, %dot_general3A {dimension_numbers = #tpu.dot_dimension_numbers<[1], [0], [0], [1], [0, 0, 1, 1], [], []>, transpose_lhs_hint = false} : vector<512x256xf32>, vector<256x256xf32>, vector<512x256xf32> -> vector<512x256xf32>
    %dot_general3A_27 = arith.constant dense<0.000000e+00> : vector<512x256xf32>
    %dot_general3A_28 = tpu.matmul %get3A_4, %get3A_13, %dot_general3A_27 {dimension_numbers = #tpu.dot_dimension_numbers<[1], [0], [0], [1], [0, 0, 1, 1], [], []>, transpose_lhs_hint = false} : vector<512x256xf32>, vector<256x256xf32>, vector<512x256xf32> -> vector<512x256xf32>
    %dot_general3A_29 = arith.constant dense<0.000000e+00> : vector<512x256xf32>
    %dot_general3A_30 = tpu.matmul %get3A_7, %get3A_13, %dot_general3A_29 {dimension_numbers = #tpu.dot_dimension_numbers<[1], [0], [0], [1], [0, 0, 1, 1], [], []>, transpose_lhs_hint = false} : vector<512x256xf32>, vector<256x256xf32>, vector<512x256xf32> -> vector<512x256xf32>
    %mul3A = arith.mulf %get3A_4, %get3A_1 : vector<512x256xf32>
    %reduce_sum3A = arith.constant dense<0.000000e+00> : vector<512xf32>
    %reduce_sum3A_31 = vector.multi_reduction <add>, %mul3A, %reduce_sum3A [1] : vector<512x256xf32> to vector<512xf32>
    %broadcast_in_dim3A = vector.shape_cast %reduce_sum3A_31 : vector<512xf32> to vector<512x1xf32>
    %mul3A_32 = arith.mulf %get3A_7, %get3A_1 : vector<512x256xf32>
    %reduce_sum3A_33 = arith.constant dense<0.000000e+00> : vector<512xf32>
    %reduce_sum3A_34 = vector.multi_reduction <add>, %mul3A_32, %reduce_sum3A_33 [1] : vector<512x256xf32> to vector<512xf32>
    %broadcast_in_dim3A_35 = vector.shape_cast %reduce_sum3A_34 : vector<512xf32> to vector<512x1xf32>
    %add3A = arith.addf %dot_general3A_26, %dot_general3A_28 : vector<512x256xf32>
    %mul3A_36 = vector.broadcast %broadcast_in_dim3A : vector<512x1xf32> to vector<512x256xf32>
    %mul3A_37 = vector.broadcast %get3A_16 : vector<1x256xf32> to vector<512x256xf32>
    %mul3A_38 = arith.mulf %mul3A_36, %mul3A_37 : vector<512x256xf32>
    %add3A_39 = arith.addf %add3A, %mul3A_38 : vector<512x256xf32>
    %add3A_40 = vector.broadcast %get3A_19 : vector<1x256xf32> to vector<512x256xf32>
    %add3A_41 = arith.addf %add3A_39, %add3A_40 : vector<512x256xf32>
    %max3A = arith.constant 0.000000e+00 : f32
    %max3A_42 = vector.broadcast %max3A : f32 to vector<512x256xf32>
    %max3A_43 = arith.maximumf %add3A_41, %max3A_42 : vector<512x256xf32>
    %add3A_44 = arith.addf %dot_general3A_26, %dot_general3A_30 : vector<512x256xf32>
    %mul3A_45 = vector.broadcast %broadcast_in_dim3A_35 : vector<512x1xf32> to vector<512x256xf32>
    %mul3A_46 = vector.broadcast %get3A_16 : vector<1x256xf32> to vector<512x256xf32>
    %mul3A_47 = arith.mulf %mul3A_45, %mul3A_46 : vector<512x256xf32>
    %add3A_48 = arith.addf %add3A_44, %mul3A_47 : vector<512x256xf32>
    %add3A_49 = vector.broadcast %get3A_19 : vector<1x256xf32> to vector<512x256xf32>
    %add3A_50 = arith.addf %add3A_48, %add3A_49 : vector<512x256xf32>
    %max3A_51 = arith.constant 0.000000e+00 : f32
    %max3A_52 = vector.broadcast %max3A_51 : f32 to vector<512x256xf32>
    %max3A_53 = arith.maximumf %add3A_50, %max3A_52 : vector<512x256xf32>
    %dot_general3A_54 = arith.constant dense<0.000000e+00> : vector<512x1xf32>
    %dot_general3A_55 = tpu.matmul %max3A_43, %get3A_22, %dot_general3A_54 {dimension_numbers = #tpu.dot_dimension_numbers<[1], [0], [0], [1], [0, 0, 1, 1], [], []>, transpose_lhs_hint = false} : vector<512x256xf32>, vector<256x1xf32>, vector<512x1xf32> -> vector<512x1xf32>
    %add3A_56 = vector.broadcast %get3A_25 : vector<1x1xf32> to vector<512x1xf32>
    %add3A_57 = arith.addf %dot_general3A_55, %add3A_56 : vector<512x1xf32>
    %dot_general3A_58 = arith.constant dense<0.000000e+00> : vector<512x1xf32>
    %dot_general3A_59 = tpu.matmul %max3A_53, %get3A_22, %dot_general3A_58 {dimension_numbers = #tpu.dot_dimension_numbers<[1], [0], [0], [1], [0, 0, 1, 1], [], []>, transpose_lhs_hint = false} : vector<512x256xf32>, vector<256x1xf32>, vector<512x1xf32> -> vector<512x1xf32>
    %add3A_60 = vector.broadcast %get3A_25 : vector<1x1xf32> to vector<512x1xf32>
    %add3A_61 = arith.addf %dot_general3A_59, %add3A_60 : vector<512x1xf32>
    %neg3A = arith.constant 0.000000e+00 : f32
    %neg3A_62 = vector.broadcast %neg3A : f32 to vector<512x1xf32>
    %neg3A_63 = arith.subf %neg3A_62, %add3A_57 : vector<512x1xf32>
    %exp3A = math.exp %neg3A_63 : vector<512x1xf32>
    %add3A_64 = arith.constant 1.000000e+00 : f32
    %add3A_65 = vector.broadcast %add3A_64 : f32 to vector<512x1xf32>
    %add3A_66 = arith.addf %add3A_65, %exp3A : vector<512x1xf32>
    %div3A = arith.constant 1.000000e+00 : f32
    %div3A_67 = vector.broadcast %div3A : f32 to vector<512x1xf32>
    %div3A_68 = arith.divf %div3A_67, %add3A_66 : vector<512x1xf32>
    %neg3A_69 = arith.constant 0.000000e+00 : f32
    %neg3A_70 = vector.broadcast %neg3A_69 : f32 to vector<512x1xf32>
    %neg3A_71 = arith.subf %neg3A_70, %add3A_61 : vector<512x1xf32>
    %exp3A_72 = math.exp %neg3A_71 : vector<512x1xf32>
    %add3A_73 = arith.constant 1.000000e+00 : f32
    %add3A_74 = vector.broadcast %add3A_73 : f32 to vector<512x1xf32>
    %add3A_75 = arith.addf %add3A_74, %exp3A_72 : vector<512x1xf32>
    %div3A_76 = arith.constant 1.000000e+00 : f32
    %div3A_77 = vector.broadcast %div3A_76 : f32 to vector<512x1xf32>
    %div3A_78 = arith.divf %div3A_77, %add3A_75 : vector<512x1xf32>
    %add3A_79 = arith.constant 9.99999993E-9 : f32
    %add3A_80 = vector.broadcast %add3A_79 : f32 to vector<512x1xf32>
    %add3A_81 = arith.addf %div3A_68, %add3A_80 : vector<512x1xf32>
    %log3A = math.log %add3A_81 : vector<512x1xf32>
    %sub3A = arith.constant 1.000000e+00 : f32
    %sub3A_82 = vector.broadcast %sub3A : f32 to vector<512x1xf32>
    %sub3A_83 = arith.subf %sub3A_82, %div3A_78 : vector<512x1xf32>
    %add3A_84 = arith.constant 9.99999993E-9 : f32
    %add3A_85 = vector.broadcast %add3A_84 : f32 to vector<512x1xf32>
    %add3A_86 = arith.addf %sub3A_83, %add3A_85 : vector<512x1xf32>
    %log3A_87 = math.log %add3A_86 : vector<512x1xf32>
    %add3A_88 = arith.addf %log3A, %log3A_87 : vector<512x1xf32>
    %reduce_sum3A_89 = arith.constant dense<0.000000e+00> : vector<1xf32>
    %reduce_sum3A_90 = vector.multi_reduction <add>, %add3A_88, %reduce_sum3A_89 [0] : vector<512x1xf32> to vector<1xf32>
    %broadcast_in_dim3A_91 = vector.shape_cast %reduce_sum3A_90 : vector<1xf32> to vector<1x1xf32>
    %eq3A = arith.constant 0 : i32
    %eq3A_92 = arith.cmpi eq, %arg0, %eq3A : i32
    %convert_element_type3A = arith.extui %eq3A_92 : i1 to i32
    %cond3A = arith.constant 0 : i32
    %cond3A_93 = arith.cmpi ne, %convert_element_type3A, %cond3A : i32
    scf.if %cond3A_93 {
      %broadcast_in_dim3A_105 = arith.constant 0.000000e+00 : f32
      %broadcast_in_dim3A_106 = vector.broadcast %broadcast_in_dim3A_105 : f32 to vector<1x1xf32>
      %swap3A_107 = arith.constant 0 : index
      %swap3A_108 = arith.constant 0 : index
      %swap3A_109 = vector.load %arg8[%swap3A_107, %swap3A_108] : memref<1x1xf32, #tpu.memory_space<vmem>>, vector<1x1xf32>
      tpu.vector_store %arg8[%swap3A_107, %swap3A_108], %broadcast_in_dim3A_106 {strides = array<i32>} : memref<1x1xf32, #tpu.memory_space<vmem>>, vector<1x1xf32>,
    } else {
    }
    %get3A_94 = arith.constant 0 : index
    %get3A_95 = arith.constant 0 : index
    %get3A_96 = vector.load %arg8[%get3A_94, %get3A_95] : memref<1x1xf32, #tpu.memory_space<vmem>>, vector<1x1xf32>
    %add3A_97 = arith.addf %get3A_96, %broadcast_in_dim3A_91 : vector<1x1xf32>
    %swap3A = arith.constant 0 : index
    %swap3A_98 = arith.constant 0 : index
    %swap3A_99 = vector.load %arg8[%swap3A, %swap3A_98] : memref<1x1xf32, #tpu.memory_space<vmem>>, vector<1x1xf32>
    tpu.vector_store %arg8[%swap3A, %swap3A_98], %add3A_97 {strides = array<i32>} : memref<1x1xf32, #tpu.memory_space<vmem>>, vector<1x1xf32>,
    %eq3A_100 = arith.constant 7 : i32
    %eq3A_101 = arith.cmpi eq, %arg0, %eq3A_100 : i32
    %convert_element_type3A_102 = arith.extui %eq3A_101 : i1 to i32
    %cond3A_103 = arith.constant 0 : i32
    %cond3A_104 = arith.cmpi ne, %convert_element_type3A_102, %cond3A_103 : i32
    scf.if %cond3A_104 {
      %get3A_105 = arith.constant 0 : index
      %get3A_106 = arith.constant 0 : index
      %get3A_107 = vector.load %arg8[%get3A_105, %get3A_106] : memref<1x1xf32, #tpu.memory_space<vmem>>, vector<1x1xf32>
      %mul3A_108 = arith.constant -1.22070313E-4 : f32
      %mul3A_109 = vector.broadcast %mul3A_108 : f32 to vector<1x1xf32>
      %mul3A_110 = arith.mulf %get3A_107, %mul3A_109 : vector<1x1xf32>
      %swap3A_111 = arith.constant 0 : index
      %swap3A_112 = arith.constant 0 : index
      %swap3A_113 = vector.load %arg8[%swap3A_111, %swap3A_112] : memref<1x1xf32, #tpu.memory_space<vmem>>, vector<1x1xf32>
      tpu.vector_store %arg8[%swap3A_111, %swap3A_112], %mul3A_110 {strides = array<i32>} : memref<1x1xf32, #tpu.memory_space<vmem>>, vector<1x1xf32>,
    } else {
    }
    return
  }
  func.func @transform_0(%arg0: i32) -> (i32, i32) {
    %c0_i32 = arith.constant 0 : i32
    %c0_i32_0 = arith.constant 0 : i32
    return %arg0, %c0_i32 : i32, i32
  }
  func.func @transform_1(%arg0: i32) -> (i32, i32) {
    %c0_i32 = arith.constant 0 : i32
    %c0_i32_0 = arith.constant 0 : i32
    return %arg0, %c0_i32 : i32, i32
  }
  func.func @transform_2(%arg0: i32) -> (i32, i32) {
    %c0_i32 = arith.constant 0 : i32
    %c0_i32_0 = arith.constant 0 : i32
    return %arg0, %c0_i32 : i32, i32
  }
  func.func @transform_3(%arg0: i32) -> (i32, i32) {
    %c0_i32 = arith.constant 0 : i32
    %c0_i32_0 = arith.constant 0 : i32
    %c0_i32_1 = arith.constant 0 : i32
    return %c0_i32, %c0_i32_0 : i32, i32
  }
  func.func @transform_4(%arg0: i32) -> (i32, i32) {
    %c0_i32 = arith.constant 0 : i32
    %c0_i32_0 = arith.constant 0 : i32
    %c0_i32_1 = arith.constant 0 : i32
    return %c0_i32, %c0_i32_0 : i32, i32
  }
  func.func @transform_5(%arg0: i32) -> (i32, i32) {
    %c0_i32 = arith.constant 0 : i32
    %c0_i32_0 = arith.constant 0 : i32
    %c0_i32_1 = arith.constant 0 : i32
    return %c0_i32, %c0_i32_0 : i32, i32
  }
  func.func @transform_6(%arg0: i32) -> (i32, i32) {
    %c0_i32 = arith.constant 0 : i32
    %c0_i32_0 = arith.constant 0 : i32
    %c0_i32_1 = arith.constant 0 : i32
    return %c0_i32, %c0_i32_0 : i32, i32
  }
  func.func @transform_7(%arg0: i32) -> (i32, i32) {
    %c0_i32 = arith.constant 0 : i32
    %c0_i32_0 = arith.constant 0 : i32
    %c0_i32_1 = arith.constant 0 : i32
    return %c0_i32, %c0_i32_0 : i32, i32
  }
}

module attributes {stable_mosaic.version = 14 : i64} {
  func.func @_mine_body(%arg0: i32, %arg1: memref<512x256xf32, #tpu.memory_space<vmem>>, %arg2: memref<4096x256xf32, #tpu.memory_space<vmem>>, %arg3: memref<512x256xf32, #tpu.memory_space<vmem>>, %arg4: memref<512x1xf32, #tpu.memory_space<vmem>>, %arg5: memref<128x128xbf16, #tpu.memory_space<vmem>>, %arg6: memref<4096x32xbf16, #tpu.memory_space<vmem>>, %arg7: memref<32x32xbf16, #tpu.memory_space<vmem>>, %arg8: memref<1x4096xf32, #tpu.memory_space<vmem>>, %arg9: memref<512x1xi32, #tpu.memory_space<vmem>>) attributes {dimension_semantics = [#tpu.dimension_semantics<arbitrary>], iteration_bounds = array<i64: 8>, scalar_prefetch = 0 : i64, scratch_operands = 0 : i64, tpu.core_type = #tpu.core_type<tc>, window_params = [{transform_indices = @transform_0, window_bounds = array<i64: 512, 256>}, {pipeline_mode = #tpu.pipeline_mode<synchronous>, transform_indices = @transform_1, window_bounds = array<i64: 4096, 256>}, {transform_indices = @transform_2, window_bounds = array<i64: 512, 256>}, {transform_indices = @transform_3, window_bounds = array<i64: 512, 1>}, {pipeline_mode = #tpu.pipeline_mode<synchronous>, transform_indices = @transform_4, window_bounds = array<i64: 128, 128>}, {pipeline_mode = #tpu.pipeline_mode<synchronous>, transform_indices = @transform_5, window_bounds = array<i64: 4096, 32>}, {pipeline_mode = #tpu.pipeline_mode<synchronous>, transform_indices = @transform_6, window_bounds = array<i64: 32, 32>}, {pipeline_mode = #tpu.pipeline_mode<synchronous>, transform_indices = @transform_7, window_bounds = array<i64: 1, 4096>}, {transform_indices = @transform_8, window_bounds = array<i64: 512, 1>}]} {
    %get3A = arith.constant 0 : index
    %get3A_0 = arith.constant 0 : index
    %get3A_1 = vector.load %arg1[%get3A, %get3A_0] : memref<512x256xf32, #tpu.memory_space<vmem>>, vector<512x256xf32>
    %get3A_2 = arith.constant 0 : index
    %get3A_3 = arith.constant 0 : index
    %get3A_4 = vector.load %arg2[%get3A_2, %get3A_3] : memref<4096x256xf32, #tpu.memory_space<vmem>>, vector<4096x256xf32>
    %get3A_5 = arith.constant 0 : index
    %get3A_6 = arith.constant 0 : index
    %get3A_7 = vector.load %arg3[%get3A_5, %get3A_6] : memref<512x256xf32, #tpu.memory_space<vmem>>, vector<512x256xf32>
    %dot_general3A = arith.constant dense<0.000000e+00> : vector<512x4096xf32>
    %dot_general3A_8 = tpu.matmul %get3A_1, %get3A_4, %dot_general3A {dimension_numbers = #tpu.dot_dimension_numbers<[1], [1], [0], [0], [0, 0, 1, 0], [], []>, transpose_lhs_hint = false} : vector<512x256xf32>, vector<4096x256xf32>, vector<512x4096xf32> -> vector<512x4096xf32>
    %mul3A = arith.mulf %get3A_1, %get3A_7 : vector<512x256xf32>
    %reduce_sum3A = arith.constant dense<0.000000e+00> : vector<512xf32>
    %reduce_sum3A_9 = vector.multi_reduction <add>, %mul3A, %reduce_sum3A [1] : vector<512x256xf32> to vector<512xf32>
    %broadcast_in_dim3A = vector.shape_cast %reduce_sum3A_9 : vector<512xf32> to vector<512x1xf32>
    %sub3A = arith.constant 5.000000e-01 : f32
    %sub3A_10 = vector.broadcast %sub3A : f32 to vector<512x1xf32>
    %sub3A_11 = arith.subf %broadcast_in_dim3A, %sub3A_10 : vector<512x1xf32>
    %gt3A = vector.broadcast %sub3A_11 : vector<512x1xf32> to vector<512x4096xf32>
    %gt3A_12 = arith.cmpf ogt, %dot_general3A_8, %gt3A : vector<512x4096xf32>
    %sub3A_13 = arith.constant 2.000000e-01 : f32
    %sub3A_14 = vector.broadcast %sub3A_13 : f32 to vector<512x1xf32>
    %sub3A_15 = arith.subf %broadcast_in_dim3A, %sub3A_14 : vector<512x1xf32>
    %lt3A = vector.broadcast %sub3A_15 : vector<512x1xf32> to vector<512x4096xf32>
    %lt3A_16 = arith.cmpf olt, %dot_general3A_8, %lt3A : vector<512x4096xf32>
    %and3A = arith.andi %gt3A_12, %lt3A_16 : vector<512x4096xi1>
    %convert_element_type3A = arith.extui %and3A : vector<512x4096xi1> to vector<512x4096xi32>
    %convert_element_type3A_17 = arith.sitofp %convert_element_type3A : vector<512x4096xi32> to vector<512x4096xf32>
    %convert_element_type3A_18 = arith.truncf %convert_element_type3A_17 : vector<512x4096xf32> to vector<512x4096xbf16>
    %get3A_19 = arith.constant 0 : index
    %get3A_20 = arith.constant 0 : index
    %get3A_21 = vector.load %arg6[%get3A_19, %get3A_20] : memref<4096x32xbf16, #tpu.memory_space<vmem>>, vector<4096x32xbf16>
    %dot_general3A_22 = arith.constant dense<0.000000e+00> : vector<512x32xf32>
    %dot_general3A_23 = tpu.matmul %convert_element_type3A_18, %get3A_21, %dot_general3A_22 {dimension_numbers = #tpu.dot_dimension_numbers<[1], [0], [0], [1], [0, 0, 1, 1], [], []>, transpose_lhs_hint = false} : vector<512x4096xbf16>, vector<4096x32xbf16>, vector<512x32xf32> -> vector<512x32xf32>
    %reduce_sum3A_24 = arith.constant dense<0.000000e+00> : vector<512xf32>
    %reduce_sum3A_25 = vector.multi_reduction <add>, %dot_general3A_23, %reduce_sum3A_24 [1] : vector<512x32xf32> to vector<512xf32>
    %broadcast_in_dim3A_26 = vector.shape_cast %reduce_sum3A_25 : vector<512xf32> to vector<512x1xf32>
    %convert_element_type3A_27 = arith.truncf %dot_general3A_23 : vector<512x32xf32> to vector<512x32xbf16>
    %get3A_28 = arith.constant 0 : index
    %get3A_29 = arith.constant 0 : index
    %get3A_30 = vector.load %arg7[%get3A_28, %get3A_29] : memref<32x32xbf16, #tpu.memory_space<vmem>>, vector<32x32xbf16>
    %dot_general3A_31 = arith.constant dense<0.000000e+00> : vector<512x32xf32>
    %dot_general3A_32 = tpu.matmul %convert_element_type3A_27, %get3A_30, %dot_general3A_31 {dimension_numbers = #tpu.dot_dimension_numbers<[1], [0], [0], [1], [0, 0, 1, 1], [], []>, transpose_lhs_hint = false} : vector<512x32xbf16>, vector<32x32xbf16>, vector<512x32xf32> -> vector<512x32xf32>
    %get3A_33 = arith.constant 0 : index
    %get3A_34 = arith.constant 0 : index
    %get3A_35 = vector.load %arg4[%get3A_33, %get3A_34] : memref<512x1xf32, #tpu.memory_space<vmem>>, vector<512x1xf32>
    %max3A = arith.constant 1.000000e+00 : f32
    %max3A_36 = vector.broadcast %max3A : f32 to vector<512x1xf32>
    %max3A_37 = arith.maximumf %broadcast_in_dim3A_26, %max3A_36 : vector<512x1xf32>
    %mul3A_38 = arith.mulf %get3A_35, %max3A_37 : vector<512x1xf32>
    %floor3A = math.floor %mul3A_38 : vector<512x1xf32>
    %add3A = arith.constant 1.000000e+00 : f32
    %add3A_39 = vector.broadcast %add3A : f32 to vector<512x1xf32>
    %add3A_40 = arith.addf %floor3A, %add3A_39 : vector<512x1xf32>
    %sub3A_41 = vector.broadcast %add3A_40 : vector<512x1xf32> to vector<512x32xf32>
    %sub3A_42 = arith.subf %sub3A_41, %dot_general3A_32 : vector<512x32xf32>
    %get3A_43 = arith.constant 0 : index
    %get3A_44 = arith.constant 0 : index
    %get3A_45 = vector.load %arg5[%get3A_43, %get3A_44] : memref<128x128xbf16, #tpu.memory_space<vmem>>, vector<128x128xbf16>
    %broadcast_in_dim3A_46 = arith.constant 0.000000e+00 : f32
    %broadcast_in_dim3A_47 = vector.broadcast %broadcast_in_dim3A_46 : f32 to vector<512x128xf32>
    %slice3A = vector.extract_strided_slice %convert_element_type3A_18 {offsets = [0, 0], sizes = [512, 128], strides = [1, 1]} : vector<512x4096xbf16> to vector<512x128xbf16>
    %dot_general3A_48 = arith.constant dense<0.000000e+00> : vector<512x128xf32>
    %dot_general3A_49 = tpu.matmul %slice3A, %get3A_45, %dot_general3A_48 {dimension_numbers = #tpu.dot_dimension_numbers<[1], [0], [0], [1], [0, 0, 1, 1], [], []>, transpose_lhs_hint = false} : vector<512x128xbf16>, vector<128x128xbf16>, vector<512x128xf32> -> vector<512x128xf32>
    %slice3A_50 = vector.extract_strided_slice %sub3A_42 {offsets = [0, 0], sizes = [512, 1], strides = [1, 1]} : vector<512x32xf32> to vector<512x1xf32>
    %lt3A_51 = vector.broadcast %slice3A_50 : vector<512x1xf32> to vector<512x128xf32>
    %lt3A_52 = arith.cmpf olt, %dot_general3A_49, %lt3A_51 : vector<512x128xf32>
    %jit3A = arith.constant 1.000000e+00 : f32
    %jit3A_53 = arith.constant 0.000000e+00 : f32
    %broadcast_in_dim3A_54 = vector.broadcast %jit3A : f32 to vector<512x128xf32>
    %broadcast_in_dim3A_55 = vector.broadcast %jit3A_53 : f32 to vector<512x128xf32>
    %select_n3A = arith.select %lt3A_52, %broadcast_in_dim3A_54, %broadcast_in_dim3A_55 : vector<512x128xi1>, vector<512x128xf32>
    %add3A_56 = arith.addf %broadcast_in_dim3A_47, %select_n3A : vector<512x128xf32>
    %slice3A_57 = vector.extract_strided_slice %convert_element_type3A_18 {offsets = [0, 128], sizes = [512, 128], strides = [1, 1]} : vector<512x4096xbf16> to vector<512x128xbf16>
    %dot_general3A_58 = arith.constant dense<0.000000e+00> : vector<512x128xf32>
    %dot_general3A_59 = tpu.matmul %slice3A_57, %get3A_45, %dot_general3A_58 {dimension_numbers = #tpu.dot_dimension_numbers<[1], [0], [0], [1], [0, 0, 1, 1], [], []>, transpose_lhs_hint = false} : vector<512x128xbf16>, vector<128x128xbf16>, vector<512x128xf32> -> vector<512x128xf32>
    %slice3A_60 = vector.extract_strided_slice %sub3A_42 {offsets = [0, 1], sizes = [512, 1], strides = [1, 1]} : vector<512x32xf32> to vector<512x1xf32>
    %lt3A_61 = vector.broadcast %slice3A_60 : vector<512x1xf32> to vector<512x128xf32>
    %lt3A_62 = arith.cmpf olt, %dot_general3A_59, %lt3A_61 : vector<512x128xf32>
    %jit3A_63 = arith.constant 1.000000e+00 : f32
    %jit3A_64 = arith.constant 0.000000e+00 : f32
    %broadcast_in_dim3A_65 = vector.broadcast %jit3A_63 : f32 to vector<512x128xf32>
    %broadcast_in_dim3A_66 = vector.broadcast %jit3A_64 : f32 to vector<512x128xf32>
    %select_n3A_67 = arith.select %lt3A_62, %broadcast_in_dim3A_65, %broadcast_in_dim3A_66 : vector<512x128xi1>, vector<512x128xf32>
    %add3A_68 = arith.addf %add3A_56, %select_n3A_67 : vector<512x128xf32>
    %slice3A_69 = vector.extract_strided_slice %convert_element_type3A_18 {offsets = [0, 256], sizes = [512, 128], strides = [1, 1]} : vector<512x4096xbf16> to vector<512x128xbf16>
    %dot_general3A_70 = arith.constant dense<0.000000e+00> : vector<512x128xf32>
    %dot_general3A_71 = tpu.matmul %slice3A_69, %get3A_45, %dot_general3A_70 {dimension_numbers = #tpu.dot_dimension_numbers<[1], [0], [0], [1], [0, 0, 1, 1], [], []>, transpose_lhs_hint = false} : vector<512x128xbf16>, vector<128x128xbf16>, vector<512x128xf32> -> vector<512x128xf32>
    %slice3A_72 = vector.extract_strided_slice %sub3A_42 {offsets = [0, 2], sizes = [512, 1], strides = [1, 1]} : vector<512x32xf32> to vector<512x1xf32>
    %lt3A_73 = vector.broadcast %slice3A_72 : vector<512x1xf32> to vector<512x128xf32>
    %lt3A_74 = arith.cmpf olt, %dot_general3A_71, %lt3A_73 : vector<512x128xf32>
    %jit3A_75 = arith.constant 1.000000e+00 : f32
    %jit3A_76 = arith.constant 0.000000e+00 : f32
    %broadcast_in_dim3A_77 = vector.broadcast %jit3A_75 : f32 to vector<512x128xf32>
    %broadcast_in_dim3A_78 = vector.broadcast %jit3A_76 : f32 to vector<512x128xf32>
    %select_n3A_79 = arith.select %lt3A_74, %broadcast_in_dim3A_77, %broadcast_in_dim3A_78 : vector<512x128xi1>, vector<512x128xf32>
    %add3A_80 = arith.addf %add3A_68, %select_n3A_79 : vector<512x128xf32>
    %slice3A_81 = vector.extract_strided_slice %convert_element_type3A_18 {offsets = [0, 384], sizes = [512, 128], strides = [1, 1]} : vector<512x4096xbf16> to vector<512x128xbf16>
    %dot_general3A_82 = arith.constant dense<0.000000e+00> : vector<512x128xf32>
    %dot_general3A_83 = tpu.matmul %slice3A_81, %get3A_45, %dot_general3A_82 {dimension_numbers = #tpu.dot_dimension_numbers<[1], [0], [0], [1], [0, 0, 1, 1], [], []>, transpose_lhs_hint = false} : vector<512x128xbf16>, vector<128x128xbf16>, vector<512x128xf32> -> vector<512x128xf32>
    %slice3A_84 = vector.extract_strided_slice %sub3A_42 {offsets = [0, 3], sizes = [512, 1], strides = [1, 1]} : vector<512x32xf32> to vector<512x1xf32>
    %lt3A_85 = vector.broadcast %slice3A_84 : vector<512x1xf32> to vector<512x128xf32>
    %lt3A_86 = arith.cmpf olt, %dot_general3A_83, %lt3A_85 : vector<512x128xf32>
    %jit3A_87 = arith.constant 1.000000e+00 : f32
    %jit3A_88 = arith.constant 0.000000e+00 : f32
    %broadcast_in_dim3A_89 = vector.broadcast %jit3A_87 : f32 to vector<512x128xf32>
    %broadcast_in_dim3A_90 = vector.broadcast %jit3A_88 : f32 to vector<512x128xf32>
    %select_n3A_91 = arith.select %lt3A_86, %broadcast_in_dim3A_89, %broadcast_in_dim3A_90 : vector<512x128xi1>, vector<512x128xf32>
    %add3A_92 = arith.addf %add3A_80, %select_n3A_91 : vector<512x128xf32>
    %slice3A_93 = vector.extract_strided_slice %convert_element_type3A_18 {offsets = [0, 512], sizes = [512, 128], strides = [1, 1]} : vector<512x4096xbf16> to vector<512x128xbf16>
    %dot_general3A_94 = arith.constant dense<0.000000e+00> : vector<512x128xf32>
    %dot_general3A_95 = tpu.matmul %slice3A_93, %get3A_45, %dot_general3A_94 {dimension_numbers = #tpu.dot_dimension_numbers<[1], [0], [0], [1], [0, 0, 1, 1], [], []>, transpose_lhs_hint = false} : vector<512x128xbf16>, vector<128x128xbf16>, vector<512x128xf32> -> vector<512x128xf32>
    %slice3A_96 = vector.extract_strided_slice %sub3A_42 {offsets = [0, 4], sizes = [512, 1], strides = [1, 1]} : vector<512x32xf32> to vector<512x1xf32>
    %lt3A_97 = vector.broadcast %slice3A_96 : vector<512x1xf32> to vector<512x128xf32>
    %lt3A_98 = arith.cmpf olt, %dot_general3A_95, %lt3A_97 : vector<512x128xf32>
    %jit3A_99 = arith.constant 1.000000e+00 : f32
    %jit3A_100 = arith.constant 0.000000e+00 : f32
    %broadcast_in_dim3A_101 = vector.broadcast %jit3A_99 : f32 to vector<512x128xf32>
    %broadcast_in_dim3A_102 = vector.broadcast %jit3A_100 : f32 to vector<512x128xf32>
    %select_n3A_103 = arith.select %lt3A_98, %broadcast_in_dim3A_101, %broadcast_in_dim3A_102 : vector<512x128xi1>, vector<512x128xf32>
    %add3A_104 = arith.addf %add3A_92, %select_n3A_103 : vector<512x128xf32>
    %slice3A_105 = vector.extract_strided_slice %convert_element_type3A_18 {offsets = [0, 640], sizes = [512, 128], strides = [1, 1]} : vector<512x4096xbf16> to vector<512x128xbf16>
    %dot_general3A_106 = arith.constant dense<0.000000e+00> : vector<512x128xf32>
    %dot_general3A_107 = tpu.matmul %slice3A_105, %get3A_45, %dot_general3A_106 {dimension_numbers = #tpu.dot_dimension_numbers<[1], [0], [0], [1], [0, 0, 1, 1], [], []>, transpose_lhs_hint = false} : vector<512x128xbf16>, vector<128x128xbf16>, vector<512x128xf32> -> vector<512x128xf32>
    %slice3A_108 = vector.extract_strided_slice %sub3A_42 {offsets = [0, 5], sizes = [512, 1], strides = [1, 1]} : vector<512x32xf32> to vector<512x1xf32>
    %lt3A_109 = vector.broadcast %slice3A_108 : vector<512x1xf32> to vector<512x128xf32>
    %lt3A_110 = arith.cmpf olt, %dot_general3A_107, %lt3A_109 : vector<512x128xf32>
    %jit3A_111 = arith.constant 1.000000e+00 : f32
    %jit3A_112 = arith.constant 0.000000e+00 : f32
    %broadcast_in_dim3A_113 = vector.broadcast %jit3A_111 : f32 to vector<512x128xf32>
    %broadcast_in_dim3A_114 = vector.broadcast %jit3A_112 : f32 to vector<512x128xf32>
    %select_n3A_115 = arith.select %lt3A_110, %broadcast_in_dim3A_113, %broadcast_in_dim3A_114 : vector<512x128xi1>, vector<512x128xf32>
    %add3A_116 = arith.addf %add3A_104, %select_n3A_115 : vector<512x128xf32>
    %slice3A_117 = vector.extract_strided_slice %convert_element_type3A_18 {offsets = [0, 768], sizes = [512, 128], strides = [1, 1]} : vector<512x4096xbf16> to vector<512x128xbf16>
    %dot_general3A_118 = arith.constant dense<0.000000e+00> : vector<512x128xf32>
    %dot_general3A_119 = tpu.matmul %slice3A_117, %get3A_45, %dot_general3A_118 {dimension_numbers = #tpu.dot_dimension_numbers<[1], [0], [0], [1], [0, 0, 1, 1], [], []>, transpose_lhs_hint = false} : vector<512x128xbf16>, vector<128x128xbf16>, vector<512x128xf32> -> vector<512x128xf32>
    %slice3A_120 = vector.extract_strided_slice %sub3A_42 {offsets = [0, 6], sizes = [512, 1], strides = [1, 1]} : vector<512x32xf32> to vector<512x1xf32>
    %lt3A_121 = vector.broadcast %slice3A_120 : vector<512x1xf32> to vector<512x128xf32>
    %lt3A_122 = arith.cmpf olt, %dot_general3A_119, %lt3A_121 : vector<512x128xf32>
    %jit3A_123 = arith.constant 1.000000e+00 : f32
    %jit3A_124 = arith.constant 0.000000e+00 : f32
    %broadcast_in_dim3A_125 = vector.broadcast %jit3A_123 : f32 to vector<512x128xf32>
    %broadcast_in_dim3A_126 = vector.broadcast %jit3A_124 : f32 to vector<512x128xf32>
    %select_n3A_127 = arith.select %lt3A_122, %broadcast_in_dim3A_125, %broadcast_in_dim3A_126 : vector<512x128xi1>, vector<512x128xf32>
    %add3A_128 = arith.addf %add3A_116, %select_n3A_127 : vector<512x128xf32>
    %slice3A_129 = vector.extract_strided_slice %convert_element_type3A_18 {offsets = [0, 896], sizes = [512, 128], strides = [1, 1]} : vector<512x4096xbf16> to vector<512x128xbf16>
    %dot_general3A_130 = arith.constant dense<0.000000e+00> : vector<512x128xf32>
    %dot_general3A_131 = tpu.matmul %slice3A_129, %get3A_45, %dot_general3A_130 {dimension_numbers = #tpu.dot_dimension_numbers<[1], [0], [0], [1], [0, 0, 1, 1], [], []>, transpose_lhs_hint = false} : vector<512x128xbf16>, vector<128x128xbf16>, vector<512x128xf32> -> vector<512x128xf32>
    %slice3A_132 = vector.extract_strided_slice %sub3A_42 {offsets = [0, 7], sizes = [512, 1], strides = [1, 1]} : vector<512x32xf32> to vector<512x1xf32>
    %lt3A_133 = vector.broadcast %slice3A_132 : vector<512x1xf32> to vector<512x128xf32>
    %lt3A_134 = arith.cmpf olt, %dot_general3A_131, %lt3A_133 : vector<512x128xf32>
    %jit3A_135 = arith.constant 1.000000e+00 : f32
    %jit3A_136 = arith.constant 0.000000e+00 : f32
    %broadcast_in_dim3A_137 = vector.broadcast %jit3A_135 : f32 to vector<512x128xf32>
    %broadcast_in_dim3A_138 = vector.broadcast %jit3A_136 : f32 to vector<512x128xf32>
    %select_n3A_139 = arith.select %lt3A_134, %broadcast_in_dim3A_137, %broadcast_in_dim3A_138 : vector<512x128xi1>, vector<512x128xf32>
    %add3A_140 = arith.addf %add3A_128, %select_n3A_139 : vector<512x128xf32>
    %slice3A_141 = vector.extract_strided_slice %convert_element_type3A_18 {offsets = [0, 1024], sizes = [512, 128], strides = [1, 1]} : vector<512x4096xbf16> to vector<512x128xbf16>
    %dot_general3A_142 = arith.constant dense<0.000000e+00> : vector<512x128xf32>
    %dot_general3A_143 = tpu.matmul %slice3A_141, %get3A_45, %dot_general3A_142 {dimension_numbers = #tpu.dot_dimension_numbers<[1], [0], [0], [1], [0, 0, 1, 1], [], []>, transpose_lhs_hint = false} : vector<512x128xbf16>, vector<128x128xbf16>, vector<512x128xf32> -> vector<512x128xf32>
    %slice3A_144 = vector.extract_strided_slice %sub3A_42 {offsets = [0, 8], sizes = [512, 1], strides = [1, 1]} : vector<512x32xf32> to vector<512x1xf32>
    %lt3A_145 = vector.broadcast %slice3A_144 : vector<512x1xf32> to vector<512x128xf32>
    %lt3A_146 = arith.cmpf olt, %dot_general3A_143, %lt3A_145 : vector<512x128xf32>
    %jit3A_147 = arith.constant 1.000000e+00 : f32
    %jit3A_148 = arith.constant 0.000000e+00 : f32
    %broadcast_in_dim3A_149 = vector.broadcast %jit3A_147 : f32 to vector<512x128xf32>
    %broadcast_in_dim3A_150 = vector.broadcast %jit3A_148 : f32 to vector<512x128xf32>
    %select_n3A_151 = arith.select %lt3A_146, %broadcast_in_dim3A_149, %broadcast_in_dim3A_150 : vector<512x128xi1>, vector<512x128xf32>
    %add3A_152 = arith.addf %add3A_140, %select_n3A_151 : vector<512x128xf32>
    %slice3A_153 = vector.extract_strided_slice %convert_element_type3A_18 {offsets = [0, 1152], sizes = [512, 128], strides = [1, 1]} : vector<512x4096xbf16> to vector<512x128xbf16>
    %dot_general3A_154 = arith.constant dense<0.000000e+00> : vector<512x128xf32>
    %dot_general3A_155 = tpu.matmul %slice3A_153, %get3A_45, %dot_general3A_154 {dimension_numbers = #tpu.dot_dimension_numbers<[1], [0], [0], [1], [0, 0, 1, 1], [], []>, transpose_lhs_hint = false} : vector<512x128xbf16>, vector<128x128xbf16>, vector<512x128xf32> -> vector<512x128xf32>
    %slice3A_156 = vector.extract_strided_slice %sub3A_42 {offsets = [0, 9], sizes = [512, 1], strides = [1, 1]} : vector<512x32xf32> to vector<512x1xf32>
    %lt3A_157 = vector.broadcast %slice3A_156 : vector<512x1xf32> to vector<512x128xf32>
    %lt3A_158 = arith.cmpf olt, %dot_general3A_155, %lt3A_157 : vector<512x128xf32>
    %jit3A_159 = arith.constant 1.000000e+00 : f32
    %jit3A_160 = arith.constant 0.000000e+00 : f32
    %broadcast_in_dim3A_161 = vector.broadcast %jit3A_159 : f32 to vector<512x128xf32>
    %broadcast_in_dim3A_162 = vector.broadcast %jit3A_160 : f32 to vector<512x128xf32>
    %select_n3A_163 = arith.select %lt3A_158, %broadcast_in_dim3A_161, %broadcast_in_dim3A_162 : vector<512x128xi1>, vector<512x128xf32>
    %add3A_164 = arith.addf %add3A_152, %select_n3A_163 : vector<512x128xf32>
    %slice3A_165 = vector.extract_strided_slice %convert_element_type3A_18 {offsets = [0, 1280], sizes = [512, 128], strides = [1, 1]} : vector<512x4096xbf16> to vector<512x128xbf16>
    %dot_general3A_166 = arith.constant dense<0.000000e+00> : vector<512x128xf32>
    %dot_general3A_167 = tpu.matmul %slice3A_165, %get3A_45, %dot_general3A_166 {dimension_numbers = #tpu.dot_dimension_numbers<[1], [0], [0], [1], [0, 0, 1, 1], [], []>, transpose_lhs_hint = false} : vector<512x128xbf16>, vector<128x128xbf16>, vector<512x128xf32> -> vector<512x128xf32>
    %slice3A_168 = vector.extract_strided_slice %sub3A_42 {offsets = [0, 10], sizes = [512, 1], strides = [1, 1]} : vector<512x32xf32> to vector<512x1xf32>
    %lt3A_169 = vector.broadcast %slice3A_168 : vector<512x1xf32> to vector<512x128xf32>
    %lt3A_170 = arith.cmpf olt, %dot_general3A_167, %lt3A_169 : vector<512x128xf32>
    %jit3A_171 = arith.constant 1.000000e+00 : f32
    %jit3A_172 = arith.constant 0.000000e+00 : f32
    %broadcast_in_dim3A_173 = vector.broadcast %jit3A_171 : f32 to vector<512x128xf32>
    %broadcast_in_dim3A_174 = vector.broadcast %jit3A_172 : f32 to vector<512x128xf32>
    %select_n3A_175 = arith.select %lt3A_170, %broadcast_in_dim3A_173, %broadcast_in_dim3A_174 : vector<512x128xi1>, vector<512x128xf32>
    %add3A_176 = arith.addf %add3A_164, %select_n3A_175 : vector<512x128xf32>
    %slice3A_177 = vector.extract_strided_slice %convert_element_type3A_18 {offsets = [0, 1408], sizes = [512, 128], strides = [1, 1]} : vector<512x4096xbf16> to vector<512x128xbf16>
    %dot_general3A_178 = arith.constant dense<0.000000e+00> : vector<512x128xf32>
    %dot_general3A_179 = tpu.matmul %slice3A_177, %get3A_45, %dot_general3A_178 {dimension_numbers = #tpu.dot_dimension_numbers<[1], [0], [0], [1], [0, 0, 1, 1], [], []>, transpose_lhs_hint = false} : vector<512x128xbf16>, vector<128x128xbf16>, vector<512x128xf32> -> vector<512x128xf32>
    %slice3A_180 = vector.extract_strided_slice %sub3A_42 {offsets = [0, 11], sizes = [512, 1], strides = [1, 1]} : vector<512x32xf32> to vector<512x1xf32>
    %lt3A_181 = vector.broadcast %slice3A_180 : vector<512x1xf32> to vector<512x128xf32>
    %lt3A_182 = arith.cmpf olt, %dot_general3A_179, %lt3A_181 : vector<512x128xf32>
    %jit3A_183 = arith.constant 1.000000e+00 : f32
    %jit3A_184 = arith.constant 0.000000e+00 : f32
    %broadcast_in_dim3A_185 = vector.broadcast %jit3A_183 : f32 to vector<512x128xf32>
    %broadcast_in_dim3A_186 = vector.broadcast %jit3A_184 : f32 to vector<512x128xf32>
    %select_n3A_187 = arith.select %lt3A_182, %broadcast_in_dim3A_185, %broadcast_in_dim3A_186 : vector<512x128xi1>, vector<512x128xf32>
    %add3A_188 = arith.addf %add3A_176, %select_n3A_187 : vector<512x128xf32>
    %slice3A_189 = vector.extract_strided_slice %convert_element_type3A_18 {offsets = [0, 1536], sizes = [512, 128], strides = [1, 1]} : vector<512x4096xbf16> to vector<512x128xbf16>
    %dot_general3A_190 = arith.constant dense<0.000000e+00> : vector<512x128xf32>
    %dot_general3A_191 = tpu.matmul %slice3A_189, %get3A_45, %dot_general3A_190 {dimension_numbers = #tpu.dot_dimension_numbers<[1], [0], [0], [1], [0, 0, 1, 1], [], []>, transpose_lhs_hint = false} : vector<512x128xbf16>, vector<128x128xbf16>, vector<512x128xf32> -> vector<512x128xf32>
    %slice3A_192 = vector.extract_strided_slice %sub3A_42 {offsets = [0, 12], sizes = [512, 1], strides = [1, 1]} : vector<512x32xf32> to vector<512x1xf32>
    %lt3A_193 = vector.broadcast %slice3A_192 : vector<512x1xf32> to vector<512x128xf32>
    %lt3A_194 = arith.cmpf olt, %dot_general3A_191, %lt3A_193 : vector<512x128xf32>
    %jit3A_195 = arith.constant 1.000000e+00 : f32
    %jit3A_196 = arith.constant 0.000000e+00 : f32
    %broadcast_in_dim3A_197 = vector.broadcast %jit3A_195 : f32 to vector<512x128xf32>
    %broadcast_in_dim3A_198 = vector.broadcast %jit3A_196 : f32 to vector<512x128xf32>
    %select_n3A_199 = arith.select %lt3A_194, %broadcast_in_dim3A_197, %broadcast_in_dim3A_198 : vector<512x128xi1>, vector<512x128xf32>
    %add3A_200 = arith.addf %add3A_188, %select_n3A_199 : vector<512x128xf32>
    %slice3A_201 = vector.extract_strided_slice %convert_element_type3A_18 {offsets = [0, 1664], sizes = [512, 128], strides = [1, 1]} : vector<512x4096xbf16> to vector<512x128xbf16>
    %dot_general3A_202 = arith.constant dense<0.000000e+00> : vector<512x128xf32>
    %dot_general3A_203 = tpu.matmul %slice3A_201, %get3A_45, %dot_general3A_202 {dimension_numbers = #tpu.dot_dimension_numbers<[1], [0], [0], [1], [0, 0, 1, 1], [], []>, transpose_lhs_hint = false} : vector<512x128xbf16>, vector<128x128xbf16>, vector<512x128xf32> -> vector<512x128xf32>
    %slice3A_204 = vector.extract_strided_slice %sub3A_42 {offsets = [0, 13], sizes = [512, 1], strides = [1, 1]} : vector<512x32xf32> to vector<512x1xf32>
    %lt3A_205 = vector.broadcast %slice3A_204 : vector<512x1xf32> to vector<512x128xf32>
    %lt3A_206 = arith.cmpf olt, %dot_general3A_203, %lt3A_205 : vector<512x128xf32>
    %jit3A_207 = arith.constant 1.000000e+00 : f32
    %jit3A_208 = arith.constant 0.000000e+00 : f32
    %broadcast_in_dim3A_209 = vector.broadcast %jit3A_207 : f32 to vector<512x128xf32>
    %broadcast_in_dim3A_210 = vector.broadcast %jit3A_208 : f32 to vector<512x128xf32>
    %select_n3A_211 = arith.select %lt3A_206, %broadcast_in_dim3A_209, %broadcast_in_dim3A_210 : vector<512x128xi1>, vector<512x128xf32>
    %add3A_212 = arith.addf %add3A_200, %select_n3A_211 : vector<512x128xf32>
    %slice3A_213 = vector.extract_strided_slice %convert_element_type3A_18 {offsets = [0, 1792], sizes = [512, 128], strides = [1, 1]} : vector<512x4096xbf16> to vector<512x128xbf16>
    %dot_general3A_214 = arith.constant dense<0.000000e+00> : vector<512x128xf32>
    %dot_general3A_215 = tpu.matmul %slice3A_213, %get3A_45, %dot_general3A_214 {dimension_numbers = #tpu.dot_dimension_numbers<[1], [0], [0], [1], [0, 0, 1, 1], [], []>, transpose_lhs_hint = false} : vector<512x128xbf16>, vector<128x128xbf16>, vector<512x128xf32> -> vector<512x128xf32>
    %slice3A_216 = vector.extract_strided_slice %sub3A_42 {offsets = [0, 14], sizes = [512, 1], strides = [1, 1]} : vector<512x32xf32> to vector<512x1xf32>
    %lt3A_217 = vector.broadcast %slice3A_216 : vector<512x1xf32> to vector<512x128xf32>
    %lt3A_218 = arith.cmpf olt, %dot_general3A_215, %lt3A_217 : vector<512x128xf32>
    %jit3A_219 = arith.constant 1.000000e+00 : f32
    %jit3A_220 = arith.constant 0.000000e+00 : f32
    %broadcast_in_dim3A_221 = vector.broadcast %jit3A_219 : f32 to vector<512x128xf32>
    %broadcast_in_dim3A_222 = vector.broadcast %jit3A_220 : f32 to vector<512x128xf32>
    %select_n3A_223 = arith.select %lt3A_218, %broadcast_in_dim3A_221, %broadcast_in_dim3A_222 : vector<512x128xi1>, vector<512x128xf32>
    %add3A_224 = arith.addf %add3A_212, %select_n3A_223 : vector<512x128xf32>
    %slice3A_225 = vector.extract_strided_slice %convert_element_type3A_18 {offsets = [0, 1920], sizes = [512, 128], strides = [1, 1]} : vector<512x4096xbf16> to vector<512x128xbf16>
    %dot_general3A_226 = arith.constant dense<0.000000e+00> : vector<512x128xf32>
    %dot_general3A_227 = tpu.matmul %slice3A_225, %get3A_45, %dot_general3A_226 {dimension_numbers = #tpu.dot_dimension_numbers<[1], [0], [0], [1], [0, 0, 1, 1], [], []>, transpose_lhs_hint = false} : vector<512x128xbf16>, vector<128x128xbf16>, vector<512x128xf32> -> vector<512x128xf32>
    %slice3A_228 = vector.extract_strided_slice %sub3A_42 {offsets = [0, 15], sizes = [512, 1], strides = [1, 1]} : vector<512x32xf32> to vector<512x1xf32>
    %lt3A_229 = vector.broadcast %slice3A_228 : vector<512x1xf32> to vector<512x128xf32>
    %lt3A_230 = arith.cmpf olt, %dot_general3A_227, %lt3A_229 : vector<512x128xf32>
    %jit3A_231 = arith.constant 1.000000e+00 : f32
    %jit3A_232 = arith.constant 0.000000e+00 : f32
    %broadcast_in_dim3A_233 = vector.broadcast %jit3A_231 : f32 to vector<512x128xf32>
    %broadcast_in_dim3A_234 = vector.broadcast %jit3A_232 : f32 to vector<512x128xf32>
    %select_n3A_235 = arith.select %lt3A_230, %broadcast_in_dim3A_233, %broadcast_in_dim3A_234 : vector<512x128xi1>, vector<512x128xf32>
    %add3A_236 = arith.addf %add3A_224, %select_n3A_235 : vector<512x128xf32>
    %slice3A_237 = vector.extract_strided_slice %convert_element_type3A_18 {offsets = [0, 2048], sizes = [512, 128], strides = [1, 1]} : vector<512x4096xbf16> to vector<512x128xbf16>
    %dot_general3A_238 = arith.constant dense<0.000000e+00> : vector<512x128xf32>
    %dot_general3A_239 = tpu.matmul %slice3A_237, %get3A_45, %dot_general3A_238 {dimension_numbers = #tpu.dot_dimension_numbers<[1], [0], [0], [1], [0, 0, 1, 1], [], []>, transpose_lhs_hint = false} : vector<512x128xbf16>, vector<128x128xbf16>, vector<512x128xf32> -> vector<512x128xf32>
    %slice3A_240 = vector.extract_strided_slice %sub3A_42 {offsets = [0, 16], sizes = [512, 1], strides = [1, 1]} : vector<512x32xf32> to vector<512x1xf32>
    %lt3A_241 = vector.broadcast %slice3A_240 : vector<512x1xf32> to vector<512x128xf32>
    %lt3A_242 = arith.cmpf olt, %dot_general3A_239, %lt3A_241 : vector<512x128xf32>
    %jit3A_243 = arith.constant 1.000000e+00 : f32
    %jit3A_244 = arith.constant 0.000000e+00 : f32
    %broadcast_in_dim3A_245 = vector.broadcast %jit3A_243 : f32 to vector<512x128xf32>
    %broadcast_in_dim3A_246 = vector.broadcast %jit3A_244 : f32 to vector<512x128xf32>
    %select_n3A_247 = arith.select %lt3A_242, %broadcast_in_dim3A_245, %broadcast_in_dim3A_246 : vector<512x128xi1>, vector<512x128xf32>
    %add3A_248 = arith.addf %add3A_236, %select_n3A_247 : vector<512x128xf32>
    %slice3A_249 = vector.extract_strided_slice %convert_element_type3A_18 {offsets = [0, 2176], sizes = [512, 128], strides = [1, 1]} : vector<512x4096xbf16> to vector<512x128xbf16>
    %dot_general3A_250 = arith.constant dense<0.000000e+00> : vector<512x128xf32>
    %dot_general3A_251 = tpu.matmul %slice3A_249, %get3A_45, %dot_general3A_250 {dimension_numbers = #tpu.dot_dimension_numbers<[1], [0], [0], [1], [0, 0, 1, 1], [], []>, transpose_lhs_hint = false} : vector<512x128xbf16>, vector<128x128xbf16>, vector<512x128xf32> -> vector<512x128xf32>
    %slice3A_252 = vector.extract_strided_slice %sub3A_42 {offsets = [0, 17], sizes = [512, 1], strides = [1, 1]} : vector<512x32xf32> to vector<512x1xf32>
    %lt3A_253 = vector.broadcast %slice3A_252 : vector<512x1xf32> to vector<512x128xf32>
    %lt3A_254 = arith.cmpf olt, %dot_general3A_251, %lt3A_253 : vector<512x128xf32>
    %jit3A_255 = arith.constant 1.000000e+00 : f32
    %jit3A_256 = arith.constant 0.000000e+00 : f32
    %broadcast_in_dim3A_257 = vector.broadcast %jit3A_255 : f32 to vector<512x128xf32>
    %broadcast_in_dim3A_258 = vector.broadcast %jit3A_256 : f32 to vector<512x128xf32>
    %select_n3A_259 = arith.select %lt3A_254, %broadcast_in_dim3A_257, %broadcast_in_dim3A_258 : vector<512x128xi1>, vector<512x128xf32>
    %add3A_260 = arith.addf %add3A_248, %select_n3A_259 : vector<512x128xf32>
    %slice3A_261 = vector.extract_strided_slice %convert_element_type3A_18 {offsets = [0, 2304], sizes = [512, 128], strides = [1, 1]} : vector<512x4096xbf16> to vector<512x128xbf16>
    %dot_general3A_262 = arith.constant dense<0.000000e+00> : vector<512x128xf32>
    %dot_general3A_263 = tpu.matmul %slice3A_261, %get3A_45, %dot_general3A_262 {dimension_numbers = #tpu.dot_dimension_numbers<[1], [0], [0], [1], [0, 0, 1, 1], [], []>, transpose_lhs_hint = false} : vector<512x128xbf16>, vector<128x128xbf16>, vector<512x128xf32> -> vector<512x128xf32>
    %slice3A_264 = vector.extract_strided_slice %sub3A_42 {offsets = [0, 18], sizes = [512, 1], strides = [1, 1]} : vector<512x32xf32> to vector<512x1xf32>
    %lt3A_265 = vector.broadcast %slice3A_264 : vector<512x1xf32> to vector<512x128xf32>
    %lt3A_266 = arith.cmpf olt, %dot_general3A_263, %lt3A_265 : vector<512x128xf32>
    %jit3A_267 = arith.constant 1.000000e+00 : f32
    %jit3A_268 = arith.constant 0.000000e+00 : f32
    %broadcast_in_dim3A_269 = vector.broadcast %jit3A_267 : f32 to vector<512x128xf32>
    %broadcast_in_dim3A_270 = vector.broadcast %jit3A_268 : f32 to vector<512x128xf32>
    %select_n3A_271 = arith.select %lt3A_266, %broadcast_in_dim3A_269, %broadcast_in_dim3A_270 : vector<512x128xi1>, vector<512x128xf32>
    %add3A_272 = arith.addf %add3A_260, %select_n3A_271 : vector<512x128xf32>
    %slice3A_273 = vector.extract_strided_slice %convert_element_type3A_18 {offsets = [0, 2432], sizes = [512, 128], strides = [1, 1]} : vector<512x4096xbf16> to vector<512x128xbf16>
    %dot_general3A_274 = arith.constant dense<0.000000e+00> : vector<512x128xf32>
    %dot_general3A_275 = tpu.matmul %slice3A_273, %get3A_45, %dot_general3A_274 {dimension_numbers = #tpu.dot_dimension_numbers<[1], [0], [0], [1], [0, 0, 1, 1], [], []>, transpose_lhs_hint = false} : vector<512x128xbf16>, vector<128x128xbf16>, vector<512x128xf32> -> vector<512x128xf32>
    %slice3A_276 = vector.extract_strided_slice %sub3A_42 {offsets = [0, 19], sizes = [512, 1], strides = [1, 1]} : vector<512x32xf32> to vector<512x1xf32>
    %lt3A_277 = vector.broadcast %slice3A_276 : vector<512x1xf32> to vector<512x128xf32>
    %lt3A_278 = arith.cmpf olt, %dot_general3A_275, %lt3A_277 : vector<512x128xf32>
    %jit3A_279 = arith.constant 1.000000e+00 : f32
    %jit3A_280 = arith.constant 0.000000e+00 : f32
    %broadcast_in_dim3A_281 = vector.broadcast %jit3A_279 : f32 to vector<512x128xf32>
    %broadcast_in_dim3A_282 = vector.broadcast %jit3A_280 : f32 to vector<512x128xf32>
    %select_n3A_283 = arith.select %lt3A_278, %broadcast_in_dim3A_281, %broadcast_in_dim3A_282 : vector<512x128xi1>, vector<512x128xf32>
    %add3A_284 = arith.addf %add3A_272, %select_n3A_283 : vector<512x128xf32>
    %slice3A_285 = vector.extract_strided_slice %convert_element_type3A_18 {offsets = [0, 2560], sizes = [512, 128], strides = [1, 1]} : vector<512x4096xbf16> to vector<512x128xbf16>
    %dot_general3A_286 = arith.constant dense<0.000000e+00> : vector<512x128xf32>
    %dot_general3A_287 = tpu.matmul %slice3A_285, %get3A_45, %dot_general3A_286 {dimension_numbers = #tpu.dot_dimension_numbers<[1], [0], [0], [1], [0, 0, 1, 1], [], []>, transpose_lhs_hint = false} : vector<512x128xbf16>, vector<128x128xbf16>, vector<512x128xf32> -> vector<512x128xf32>
    %slice3A_288 = vector.extract_strided_slice %sub3A_42 {offsets = [0, 20], sizes = [512, 1], strides = [1, 1]} : vector<512x32xf32> to vector<512x1xf32>
    %lt3A_289 = vector.broadcast %slice3A_288 : vector<512x1xf32> to vector<512x128xf32>
    %lt3A_290 = arith.cmpf olt, %dot_general3A_287, %lt3A_289 : vector<512x128xf32>
    %jit3A_291 = arith.constant 1.000000e+00 : f32
    %jit3A_292 = arith.constant 0.000000e+00 : f32
    %broadcast_in_dim3A_293 = vector.broadcast %jit3A_291 : f32 to vector<512x128xf32>
    %broadcast_in_dim3A_294 = vector.broadcast %jit3A_292 : f32 to vector<512x128xf32>
    %select_n3A_295 = arith.select %lt3A_290, %broadcast_in_dim3A_293, %broadcast_in_dim3A_294 : vector<512x128xi1>, vector<512x128xf32>
    %add3A_296 = arith.addf %add3A_284, %select_n3A_295 : vector<512x128xf32>
    %slice3A_297 = vector.extract_strided_slice %convert_element_type3A_18 {offsets = [0, 2688], sizes = [512, 128], strides = [1, 1]} : vector<512x4096xbf16> to vector<512x128xbf16>
    %dot_general3A_298 = arith.constant dense<0.000000e+00> : vector<512x128xf32>
    %dot_general3A_299 = tpu.matmul %slice3A_297, %get3A_45, %dot_general3A_298 {dimension_numbers = #tpu.dot_dimension_numbers<[1], [0], [0], [1], [0, 0, 1, 1], [], []>, transpose_lhs_hint = false} : vector<512x128xbf16>, vector<128x128xbf16>, vector<512x128xf32> -> vector<512x128xf32>
    %slice3A_300 = vector.extract_strided_slice %sub3A_42 {offsets = [0, 21], sizes = [512, 1], strides = [1, 1]} : vector<512x32xf32> to vector<512x1xf32>
    %lt3A_301 = vector.broadcast %slice3A_300 : vector<512x1xf32> to vector<512x128xf32>
    %lt3A_302 = arith.cmpf olt, %dot_general3A_299, %lt3A_301 : vector<512x128xf32>
    %jit3A_303 = arith.constant 1.000000e+00 : f32
    %jit3A_304 = arith.constant 0.000000e+00 : f32
    %broadcast_in_dim3A_305 = vector.broadcast %jit3A_303 : f32 to vector<512x128xf32>
    %broadcast_in_dim3A_306 = vector.broadcast %jit3A_304 : f32 to vector<512x128xf32>
    %select_n3A_307 = arith.select %lt3A_302, %broadcast_in_dim3A_305, %broadcast_in_dim3A_306 : vector<512x128xi1>, vector<512x128xf32>
    %add3A_308 = arith.addf %add3A_296, %select_n3A_307 : vector<512x128xf32>
    %slice3A_309 = vector.extract_strided_slice %convert_element_type3A_18 {offsets = [0, 2816], sizes = [512, 128], strides = [1, 1]} : vector<512x4096xbf16> to vector<512x128xbf16>
    %dot_general3A_310 = arith.constant dense<0.000000e+00> : vector<512x128xf32>
    %dot_general3A_311 = tpu.matmul %slice3A_309, %get3A_45, %dot_general3A_310 {dimension_numbers = #tpu.dot_dimension_numbers<[1], [0], [0], [1], [0, 0, 1, 1], [], []>, transpose_lhs_hint = false} : vector<512x128xbf16>, vector<128x128xbf16>, vector<512x128xf32> -> vector<512x128xf32>
    %slice3A_312 = vector.extract_strided_slice %sub3A_42 {offsets = [0, 22], sizes = [512, 1], strides = [1, 1]} : vector<512x32xf32> to vector<512x1xf32>
    %lt3A_313 = vector.broadcast %slice3A_312 : vector<512x1xf32> to vector<512x128xf32>
    %lt3A_314 = arith.cmpf olt, %dot_general3A_311, %lt3A_313 : vector<512x128xf32>
    %jit3A_315 = arith.constant 1.000000e+00 : f32
    %jit3A_316 = arith.constant 0.000000e+00 : f32
    %broadcast_in_dim3A_317 = vector.broadcast %jit3A_315 : f32 to vector<512x128xf32>
    %broadcast_in_dim3A_318 = vector.broadcast %jit3A_316 : f32 to vector<512x128xf32>
    %select_n3A_319 = arith.select %lt3A_314, %broadcast_in_dim3A_317, %broadcast_in_dim3A_318 : vector<512x128xi1>, vector<512x128xf32>
    %add3A_320 = arith.addf %add3A_308, %select_n3A_319 : vector<512x128xf32>
    %slice3A_321 = vector.extract_strided_slice %convert_element_type3A_18 {offsets = [0, 2944], sizes = [512, 128], strides = [1, 1]} : vector<512x4096xbf16> to vector<512x128xbf16>
    %dot_general3A_322 = arith.constant dense<0.000000e+00> : vector<512x128xf32>
    %dot_general3A_323 = tpu.matmul %slice3A_321, %get3A_45, %dot_general3A_322 {dimension_numbers = #tpu.dot_dimension_numbers<[1], [0], [0], [1], [0, 0, 1, 1], [], []>, transpose_lhs_hint = false} : vector<512x128xbf16>, vector<128x128xbf16>, vector<512x128xf32> -> vector<512x128xf32>
    %slice3A_324 = vector.extract_strided_slice %sub3A_42 {offsets = [0, 23], sizes = [512, 1], strides = [1, 1]} : vector<512x32xf32> to vector<512x1xf32>
    %lt3A_325 = vector.broadcast %slice3A_324 : vector<512x1xf32> to vector<512x128xf32>
    %lt3A_326 = arith.cmpf olt, %dot_general3A_323, %lt3A_325 : vector<512x128xf32>
    %jit3A_327 = arith.constant 1.000000e+00 : f32
    %jit3A_328 = arith.constant 0.000000e+00 : f32
    %broadcast_in_dim3A_329 = vector.broadcast %jit3A_327 : f32 to vector<512x128xf32>
    %broadcast_in_dim3A_330 = vector.broadcast %jit3A_328 : f32 to vector<512x128xf32>
    %select_n3A_331 = arith.select %lt3A_326, %broadcast_in_dim3A_329, %broadcast_in_dim3A_330 : vector<512x128xi1>, vector<512x128xf32>
    %add3A_332 = arith.addf %add3A_320, %select_n3A_331 : vector<512x128xf32>
    %slice3A_333 = vector.extract_strided_slice %convert_element_type3A_18 {offsets = [0, 3072], sizes = [512, 128], strides = [1, 1]} : vector<512x4096xbf16> to vector<512x128xbf16>
    %dot_general3A_334 = arith.constant dense<0.000000e+00> : vector<512x128xf32>
    %dot_general3A_335 = tpu.matmul %slice3A_333, %get3A_45, %dot_general3A_334 {dimension_numbers = #tpu.dot_dimension_numbers<[1], [0], [0], [1], [0, 0, 1, 1], [], []>, transpose_lhs_hint = false} : vector<512x128xbf16>, vector<128x128xbf16>, vector<512x128xf32> -> vector<512x128xf32>
    %slice3A_336 = vector.extract_strided_slice %sub3A_42 {offsets = [0, 24], sizes = [512, 1], strides = [1, 1]} : vector<512x32xf32> to vector<512x1xf32>
    %lt3A_337 = vector.broadcast %slice3A_336 : vector<512x1xf32> to vector<512x128xf32>
    %lt3A_338 = arith.cmpf olt, %dot_general3A_335, %lt3A_337 : vector<512x128xf32>
    %jit3A_339 = arith.constant 1.000000e+00 : f32
    %jit3A_340 = arith.constant 0.000000e+00 : f32
    %broadcast_in_dim3A_341 = vector.broadcast %jit3A_339 : f32 to vector<512x128xf32>
    %broadcast_in_dim3A_342 = vector.broadcast %jit3A_340 : f32 to vector<512x128xf32>
    %select_n3A_343 = arith.select %lt3A_338, %broadcast_in_dim3A_341, %broadcast_in_dim3A_342 : vector<512x128xi1>, vector<512x128xf32>
    %add3A_344 = arith.addf %add3A_332, %select_n3A_343 : vector<512x128xf32>
    %slice3A_345 = vector.extract_strided_slice %convert_element_type3A_18 {offsets = [0, 3200], sizes = [512, 128], strides = [1, 1]} : vector<512x4096xbf16> to vector<512x128xbf16>
    %dot_general3A_346 = arith.constant dense<0.000000e+00> : vector<512x128xf32>
    %dot_general3A_347 = tpu.matmul %slice3A_345, %get3A_45, %dot_general3A_346 {dimension_numbers = #tpu.dot_dimension_numbers<[1], [0], [0], [1], [0, 0, 1, 1], [], []>, transpose_lhs_hint = false} : vector<512x128xbf16>, vector<128x128xbf16>, vector<512x128xf32> -> vector<512x128xf32>
    %slice3A_348 = vector.extract_strided_slice %sub3A_42 {offsets = [0, 25], sizes = [512, 1], strides = [1, 1]} : vector<512x32xf32> to vector<512x1xf32>
    %lt3A_349 = vector.broadcast %slice3A_348 : vector<512x1xf32> to vector<512x128xf32>
    %lt3A_350 = arith.cmpf olt, %dot_general3A_347, %lt3A_349 : vector<512x128xf32>
    %jit3A_351 = arith.constant 1.000000e+00 : f32
    %jit3A_352 = arith.constant 0.000000e+00 : f32
    %broadcast_in_dim3A_353 = vector.broadcast %jit3A_351 : f32 to vector<512x128xf32>
    %broadcast_in_dim3A_354 = vector.broadcast %jit3A_352 : f32 to vector<512x128xf32>
    %select_n3A_355 = arith.select %lt3A_350, %broadcast_in_dim3A_353, %broadcast_in_dim3A_354 : vector<512x128xi1>, vector<512x128xf32>
    %add3A_356 = arith.addf %add3A_344, %select_n3A_355 : vector<512x128xf32>
    %slice3A_357 = vector.extract_strided_slice %convert_element_type3A_18 {offsets = [0, 3328], sizes = [512, 128], strides = [1, 1]} : vector<512x4096xbf16> to vector<512x128xbf16>
    %dot_general3A_358 = arith.constant dense<0.000000e+00> : vector<512x128xf32>
    %dot_general3A_359 = tpu.matmul %slice3A_357, %get3A_45, %dot_general3A_358 {dimension_numbers = #tpu.dot_dimension_numbers<[1], [0], [0], [1], [0, 0, 1, 1], [], []>, transpose_lhs_hint = false} : vector<512x128xbf16>, vector<128x128xbf16>, vector<512x128xf32> -> vector<512x128xf32>
    %slice3A_360 = vector.extract_strided_slice %sub3A_42 {offsets = [0, 26], sizes = [512, 1], strides = [1, 1]} : vector<512x32xf32> to vector<512x1xf32>
    %lt3A_361 = vector.broadcast %slice3A_360 : vector<512x1xf32> to vector<512x128xf32>
    %lt3A_362 = arith.cmpf olt, %dot_general3A_359, %lt3A_361 : vector<512x128xf32>
    %jit3A_363 = arith.constant 1.000000e+00 : f32
    %jit3A_364 = arith.constant 0.000000e+00 : f32
    %broadcast_in_dim3A_365 = vector.broadcast %jit3A_363 : f32 to vector<512x128xf32>
    %broadcast_in_dim3A_366 = vector.broadcast %jit3A_364 : f32 to vector<512x128xf32>
    %select_n3A_367 = arith.select %lt3A_362, %broadcast_in_dim3A_365, %broadcast_in_dim3A_366 : vector<512x128xi1>, vector<512x128xf32>
    %add3A_368 = arith.addf %add3A_356, %select_n3A_367 : vector<512x128xf32>
    %slice3A_369 = vector.extract_strided_slice %convert_element_type3A_18 {offsets = [0, 3456], sizes = [512, 128], strides = [1, 1]} : vector<512x4096xbf16> to vector<512x128xbf16>
    %dot_general3A_370 = arith.constant dense<0.000000e+00> : vector<512x128xf32>
    %dot_general3A_371 = tpu.matmul %slice3A_369, %get3A_45, %dot_general3A_370 {dimension_numbers = #tpu.dot_dimension_numbers<[1], [0], [0], [1], [0, 0, 1, 1], [], []>, transpose_lhs_hint = false} : vector<512x128xbf16>, vector<128x128xbf16>, vector<512x128xf32> -> vector<512x128xf32>
    %slice3A_372 = vector.extract_strided_slice %sub3A_42 {offsets = [0, 27], sizes = [512, 1], strides = [1, 1]} : vector<512x32xf32> to vector<512x1xf32>
    %lt3A_373 = vector.broadcast %slice3A_372 : vector<512x1xf32> to vector<512x128xf32>
    %lt3A_374 = arith.cmpf olt, %dot_general3A_371, %lt3A_373 : vector<512x128xf32>
    %jit3A_375 = arith.constant 1.000000e+00 : f32
    %jit3A_376 = arith.constant 0.000000e+00 : f32
    %broadcast_in_dim3A_377 = vector.broadcast %jit3A_375 : f32 to vector<512x128xf32>
    %broadcast_in_dim3A_378 = vector.broadcast %jit3A_376 : f32 to vector<512x128xf32>
    %select_n3A_379 = arith.select %lt3A_374, %broadcast_in_dim3A_377, %broadcast_in_dim3A_378 : vector<512x128xi1>, vector<512x128xf32>
    %add3A_380 = arith.addf %add3A_368, %select_n3A_379 : vector<512x128xf32>
    %slice3A_381 = vector.extract_strided_slice %convert_element_type3A_18 {offsets = [0, 3584], sizes = [512, 128], strides = [1, 1]} : vector<512x4096xbf16> to vector<512x128xbf16>
    %dot_general3A_382 = arith.constant dense<0.000000e+00> : vector<512x128xf32>
    %dot_general3A_383 = tpu.matmul %slice3A_381, %get3A_45, %dot_general3A_382 {dimension_numbers = #tpu.dot_dimension_numbers<[1], [0], [0], [1], [0, 0, 1, 1], [], []>, transpose_lhs_hint = false} : vector<512x128xbf16>, vector<128x128xbf16>, vector<512x128xf32> -> vector<512x128xf32>
    %slice3A_384 = vector.extract_strided_slice %sub3A_42 {offsets = [0, 28], sizes = [512, 1], strides = [1, 1]} : vector<512x32xf32> to vector<512x1xf32>
    %lt3A_385 = vector.broadcast %slice3A_384 : vector<512x1xf32> to vector<512x128xf32>
    %lt3A_386 = arith.cmpf olt, %dot_general3A_383, %lt3A_385 : vector<512x128xf32>
    %jit3A_387 = arith.constant 1.000000e+00 : f32
    %jit3A_388 = arith.constant 0.000000e+00 : f32
    %broadcast_in_dim3A_389 = vector.broadcast %jit3A_387 : f32 to vector<512x128xf32>
    %broadcast_in_dim3A_390 = vector.broadcast %jit3A_388 : f32 to vector<512x128xf32>
    %select_n3A_391 = arith.select %lt3A_386, %broadcast_in_dim3A_389, %broadcast_in_dim3A_390 : vector<512x128xi1>, vector<512x128xf32>
    %add3A_392 = arith.addf %add3A_380, %select_n3A_391 : vector<512x128xf32>
    %slice3A_393 = vector.extract_strided_slice %convert_element_type3A_18 {offsets = [0, 3712], sizes = [512, 128], strides = [1, 1]} : vector<512x4096xbf16> to vector<512x128xbf16>
    %dot_general3A_394 = arith.constant dense<0.000000e+00> : vector<512x128xf32>
    %dot_general3A_395 = tpu.matmul %slice3A_393, %get3A_45, %dot_general3A_394 {dimension_numbers = #tpu.dot_dimension_numbers<[1], [0], [0], [1], [0, 0, 1, 1], [], []>, transpose_lhs_hint = false} : vector<512x128xbf16>, vector<128x128xbf16>, vector<512x128xf32> -> vector<512x128xf32>
    %slice3A_396 = vector.extract_strided_slice %sub3A_42 {offsets = [0, 29], sizes = [512, 1], strides = [1, 1]} : vector<512x32xf32> to vector<512x1xf32>
    %lt3A_397 = vector.broadcast %slice3A_396 : vector<512x1xf32> to vector<512x128xf32>
    %lt3A_398 = arith.cmpf olt, %dot_general3A_395, %lt3A_397 : vector<512x128xf32>
    %jit3A_399 = arith.constant 1.000000e+00 : f32
    %jit3A_400 = arith.constant 0.000000e+00 : f32
    %broadcast_in_dim3A_401 = vector.broadcast %jit3A_399 : f32 to vector<512x128xf32>
    %broadcast_in_dim3A_402 = vector.broadcast %jit3A_400 : f32 to vector<512x128xf32>
    %select_n3A_403 = arith.select %lt3A_398, %broadcast_in_dim3A_401, %broadcast_in_dim3A_402 : vector<512x128xi1>, vector<512x128xf32>
    %add3A_404 = arith.addf %add3A_392, %select_n3A_403 : vector<512x128xf32>
    %slice3A_405 = vector.extract_strided_slice %convert_element_type3A_18 {offsets = [0, 3840], sizes = [512, 128], strides = [1, 1]} : vector<512x4096xbf16> to vector<512x128xbf16>
    %dot_general3A_406 = arith.constant dense<0.000000e+00> : vector<512x128xf32>
    %dot_general3A_407 = tpu.matmul %slice3A_405, %get3A_45, %dot_general3A_406 {dimension_numbers = #tpu.dot_dimension_numbers<[1], [0], [0], [1], [0, 0, 1, 1], [], []>, transpose_lhs_hint = false} : vector<512x128xbf16>, vector<128x128xbf16>, vector<512x128xf32> -> vector<512x128xf32>
    %slice3A_408 = vector.extract_strided_slice %sub3A_42 {offsets = [0, 30], sizes = [512, 1], strides = [1, 1]} : vector<512x32xf32> to vector<512x1xf32>
    %lt3A_409 = vector.broadcast %slice3A_408 : vector<512x1xf32> to vector<512x128xf32>
    %lt3A_410 = arith.cmpf olt, %dot_general3A_407, %lt3A_409 : vector<512x128xf32>
    %jit3A_411 = arith.constant 1.000000e+00 : f32
    %jit3A_412 = arith.constant 0.000000e+00 : f32
    %broadcast_in_dim3A_413 = vector.broadcast %jit3A_411 : f32 to vector<512x128xf32>
    %broadcast_in_dim3A_414 = vector.broadcast %jit3A_412 : f32 to vector<512x128xf32>
    %select_n3A_415 = arith.select %lt3A_410, %broadcast_in_dim3A_413, %broadcast_in_dim3A_414 : vector<512x128xi1>, vector<512x128xf32>
    %add3A_416 = arith.addf %add3A_404, %select_n3A_415 : vector<512x128xf32>
    %slice3A_417 = vector.extract_strided_slice %convert_element_type3A_18 {offsets = [0, 3968], sizes = [512, 128], strides = [1, 1]} : vector<512x4096xbf16> to vector<512x128xbf16>
    %dot_general3A_418 = arith.constant dense<0.000000e+00> : vector<512x128xf32>
    %dot_general3A_419 = tpu.matmul %slice3A_417, %get3A_45, %dot_general3A_418 {dimension_numbers = #tpu.dot_dimension_numbers<[1], [0], [0], [1], [0, 0, 1, 1], [], []>, transpose_lhs_hint = false} : vector<512x128xbf16>, vector<128x128xbf16>, vector<512x128xf32> -> vector<512x128xf32>
    %slice3A_420 = vector.extract_strided_slice %sub3A_42 {offsets = [0, 31], sizes = [512, 1], strides = [1, 1]} : vector<512x32xf32> to vector<512x1xf32>
    %lt3A_421 = vector.broadcast %slice3A_420 : vector<512x1xf32> to vector<512x128xf32>
    %lt3A_422 = arith.cmpf olt, %dot_general3A_419, %lt3A_421 : vector<512x128xf32>
    %jit3A_423 = arith.constant 1.000000e+00 : f32
    %jit3A_424 = arith.constant 0.000000e+00 : f32
    %broadcast_in_dim3A_425 = vector.broadcast %jit3A_423 : f32 to vector<512x128xf32>
    %broadcast_in_dim3A_426 = vector.broadcast %jit3A_424 : f32 to vector<512x128xf32>
    %select_n3A_427 = arith.select %lt3A_422, %broadcast_in_dim3A_425, %broadcast_in_dim3A_426 : vector<512x128xi1>, vector<512x128xf32>
    %add3A_428 = arith.addf %add3A_416, %select_n3A_427 : vector<512x128xf32>
    %reduce_sum3A_429 = arith.constant dense<0.000000e+00> : vector<512xf32>
    %reduce_sum3A_430 = vector.multi_reduction <add>, %add3A_428, %reduce_sum3A_429 [1] : vector<512x128xf32> to vector<512xf32>
    %broadcast_in_dim3A_431 = vector.shape_cast %reduce_sum3A_430 : vector<512xf32> to vector<512x1xf32>
    %ge3A = arith.constant 4.096000e+03 : f32
    %ge3A_432 = vector.broadcast %ge3A : f32 to vector<512x1xf32>
    %ge3A_433 = arith.cmpf oge, %broadcast_in_dim3A_431, %ge3A_432 : vector<512x1xf32>
    %jit3A_434 = arith.constant 0.000000e+00 : f32
    %broadcast_in_dim3A_435 = vector.broadcast %jit3A_434 : f32 to vector<512x1xf32>
    %select_n3A_436 = arith.select %ge3A_433, %broadcast_in_dim3A_435, %broadcast_in_dim3A_431 : vector<512x1xi1>, vector<512x1xf32>
    %iota3A = tpu.iota {dimensions = array<i32: 0>} : vector<512x1xi32>
    %mul3A_437 = arith.constant 512 : i32
    %mul3A_438 = arith.muli %arg0, %mul3A_437 : i32
    %add3A_439 = vector.broadcast %mul3A_438 : i32 to vector<512x1xi32>
    %add3A_440 = arith.addi %iota3A, %add3A_439 : vector<512x1xi32>
    %convert_element_type3A_441 = arith.sitofp %add3A_440 : vector<512x1xi32> to vector<512x1xf32>
    %get3A_442 = arith.constant 0 : index
    %get3A_443 = arith.constant 0 : index
    %get3A_444 = vector.load %arg8[%get3A_442, %get3A_443] : memref<1x4096xf32, #tpu.memory_space<vmem>>, vector<1x4096xf32>
    %eq3A = vector.broadcast %get3A_444 : vector<1x4096xf32> to vector<512x4096xf32>
    %eq3A_445 = vector.broadcast %convert_element_type3A_441 : vector<512x1xf32> to vector<512x4096xf32>
    %eq3A_446 = arith.cmpf oeq, %eq3A, %eq3A_445 : vector<512x4096xf32>
    %jit3A_447 = arith.constant -3.000000e+38 : f32
    %broadcast_in_dim3A_448 = vector.broadcast %jit3A_447 : f32 to vector<512x4096xf32>
    %select_n3A_449 = arith.select %eq3A_446, %broadcast_in_dim3A_448, %dot_general3A_8 : vector<512x4096xi1>, vector<512x4096xf32>
    %reduce_max3A = arith.constant dense<0xFF800000> : vector<512xf32>
    %reduce_max3A_450 = vector.multi_reduction <maximumf>, %select_n3A_449, %reduce_max3A [1] : vector<512x4096xf32> to vector<512xf32>
    %broadcast_in_dim3A_451 = vector.shape_cast %reduce_max3A_450 : vector<512xf32> to vector<512x1xf32>
    %ge3A_452 = vector.broadcast %broadcast_in_dim3A_451 : vector<512x1xf32> to vector<512x4096xf32>
    %ge3A_453 = arith.cmpf oge, %select_n3A_449, %ge3A_452 : vector<512x4096xf32>
    %jit3A_454 = arith.constant 4.096000e+03 : f32
    %broadcast_in_dim3A_455 = vector.shape_cast %get3A_444 : vector<1x4096xf32> to vector<1x4096xf32>
    %broadcast_in_dim3A_456 = vector.broadcast %broadcast_in_dim3A_455 : vector<1x4096xf32> to vector<512x4096xf32>
    %broadcast_in_dim3A_457 = vector.broadcast %jit3A_454 : f32 to vector<512x4096xf32>
    %select_n3A_458 = arith.select %ge3A_453, %broadcast_in_dim3A_456, %broadcast_in_dim3A_457 : vector<512x4096xi1>, vector<512x4096xf32>
    %reduce_min3A = arith.constant dense<0x7F800000> : vector<512xf32>
    %reduce_min3A_459 = vector.multi_reduction <minimumf>, %select_n3A_458, %reduce_min3A [1] : vector<512x4096xf32> to vector<512xf32>
    %broadcast_in_dim3A_460 = vector.shape_cast %reduce_min3A_459 : vector<512xf32> to vector<512x1xf32>
    %gt3A_461 = arith.constant 0.000000e+00 : f32
    %gt3A_462 = vector.broadcast %gt3A_461 : f32 to vector<512x1xf32>
    %gt3A_463 = arith.cmpf ogt, %broadcast_in_dim3A_26, %gt3A_462 : vector<512x1xf32>
    %select_n3A_464 = arith.select %gt3A_463, %select_n3A_436, %broadcast_in_dim3A_460 : vector<512x1xi1>, vector<512x1xf32>
    %convert_element_type3A_465 = arith.fptosi %select_n3A_464 : vector<512x1xf32> to vector<512x1xi32>
    %swap3A = arith.constant 0 : index
    %swap3A_466 = arith.constant 0 : index
    %swap3A_467 = vector.load %arg9[%swap3A, %swap3A_466] : memref<512x1xi32, #tpu.memory_space<vmem>>, vector<512x1xi32>
    tpu.vector_store %arg9[%swap3A, %swap3A_466], %convert_element_type3A_465 {strides = array<i32>} : memref<512x1xi32, #tpu.memory_space<vmem>>, vector<512x1xi32>,
    return
  }
  func.func @transform_0(%arg0: i32) -> (i32, i32) {
    %c0_i32 = arith.constant 0 : i32
    %c0_i32_0 = arith.constant 0 : i32
    return %arg0, %c0_i32 : i32, i32
  }
  func.func @transform_1(%arg0: i32) -> (i32, i32) {
    %c0_i32 = arith.constant 0 : i32
    %c0_i32_0 = arith.constant 0 : i32
    %c0_i32_1 = arith.constant 0 : i32
    return %c0_i32, %c0_i32_0 : i32, i32
  }
  func.func @transform_2(%arg0: i32) -> (i32, i32) {
    %c0_i32 = arith.constant 0 : i32
    %c0_i32_0 = arith.constant 0 : i32
    return %arg0, %c0_i32 : i32, i32
  }
  func.func @transform_3(%arg0: i32) -> (i32, i32) {
    %c0_i32 = arith.constant 0 : i32
    %c0_i32_0 = arith.constant 0 : i32
    return %arg0, %c0_i32 : i32, i32
  }
  func.func @transform_4(%arg0: i32) -> (i32, i32) {
    %c0_i32 = arith.constant 0 : i32
    %c0_i32_0 = arith.constant 0 : i32
    %c0_i32_1 = arith.constant 0 : i32
    return %c0_i32, %c0_i32_0 : i32, i32
  }
  func.func @transform_5(%arg0: i32) -> (i32, i32) {
    %c0_i32 = arith.constant 0 : i32
    %c0_i32_0 = arith.constant 0 : i32
    %c0_i32_1 = arith.constant 0 : i32
    return %c0_i32, %c0_i32_0 : i32, i32
  }
  func.func @transform_6(%arg0: i32) -> (i32, i32) {
    %c0_i32 = arith.constant 0 : i32
    %c0_i32_0 = arith.constant 0 : i32
    %c0_i32_1 = arith.constant 0 : i32
    return %c0_i32, %c0_i32_0 : i32, i32
  }
  func.func @transform_7(%arg0: i32) -> (i32, i32) {
    %c0_i32 = arith.constant 0 : i32
    %c0_i32_0 = arith.constant 0 : i32
    %c0_i32_1 = arith.constant 0 : i32
    return %c0_i32, %c0_i32_0 : i32, i32
  }
  func.func @transform_8(%arg0: i32) -> (i32, i32) {
    %c0_i32 = arith.constant 0 : i32
    %c0_i32_0 = arith.constant 0 : i32
    return %arg0, %c0_i32 : i32, i32
  }
}

</mosaic_0001>

<sc_bundles>
// kernel: kernel.5.cloned.1.call-start
scs
__scs_entry_jumppad:
0x0: {  	(pc) =	sbr.rel $0x88, $3  }
0x1: {  	(tag) =	ssettag $0x0;
	lr =	simm.s32 $0x1  }
0x2: {  	[smem:$0x3F99] =	sst lr;
	_ =	strace $0xD0000000  }
0x3: {  	_ = 	snop  }
0x4: {  	_ = 	snop  }
0x5: {  	_ = 	snop  }
0x6: {  	_ = 	snop  }
0x7: {  	_ = 	snop  }
__scs_overlays_trampoline_lowered:
0x8: {  	[smem:$0x3FA8] =	sst s0  }
0x9: {  	[smem:$0x3FA9] =	sst s1  }
0xa: {  	[smem:$0x3FAA] =	sst s2  }
0xb: {  	[smem:$0x3FAB] =	sst s3  }
0xc: {  	[smem:$0x3FAC] =	sst s4  }
0xd: {  	[smem:$0x3FAD] =	sst s5  }
0xe: {  	[smem:$0x3FAE] =	sst s6  }
0xf: {  	[smem:$0x3FAF] =	sst s7  }
0x10: {  	[smem:$0x3FB0] =	sst s8  }
0x11: {  	[smem:$0x3FB1] =	sst s9;
	s0 =	simm.s32 @!p0 $0x0  }
0x12: {  	s1 =	sld [smem:$0x3F97];
	s0 =	simm.s32 @p0 $0x1  }
0x13: {  	[smem:$0x3FB2] =	sst s0;
	s0 =	simm.s32 @!p1 $0x0  }
0x14: {  	s2 =	sld [smem:$0x3F96];
	s0 =	simm.s32 @p1 $0x1  }
0x15: {  	[smem:$0x3FB3] =	sst s0;
	s0 =	simm.s32 @!p2 $0x0  }
0x16: {  	s3 =	sld [smem:$0x3FDB];
	s0 =	simm.s32 @p2 $0x1  }
0x17: {  	s4 =	simm.s32 $0x1BF5;
	[smem:$0x3FB5] =	sst s0  }
0x18: {  	s0 =	sld [smem:$0x3F98];
	_ =	swait.ge [sflag:s4], $0x0  }
0x19: {  	s7 =	sld [smem:$0x3F99]  }
0x1a: {  	s8 =	sadd.s32 $0xFFFFE003, lr  }
0x1b: {  	s9 =	sadd.s32 $0xFFFFFEF7, lr;
	s5 =	simm.s32 $0xFFFFFFFF;
	p2 =	slt.u32 s8, $0xFFFFF086  }
0x1c: {  	p1 =	slt.u32 s9, $0xF7A;
	s5 =	simm.s32 @!p2 $0x0  }
0x1d: {  	s5 =	simm.s32 @p1 $0x1;
	p0 =	seq.s32 s7, s2  }
0x1e: {  	s7 =	smul.u32 @!p0 $0xF7A, s2;
	p2 =	seq.s32 @!p0 s5, $0x0  }
0x1f: {  	s9 =	smul.u32 $0xF7A, s1;
	s8 =	simm.s32 @!p0 $0x1BF5;
	p2 =	por !p2, p0  }
0x20: {  	[sflag:s8] =	ssyncset.s32 @!p0 $0xFFFFF086;
	s6 =	sadd.s32 @!p0 s3, s7;
	s7 =	simm.s32 @!p0 $0x108  }
0x21: {  	s3 =	sadd.s32 s3, s9;
	s6 =	sadd.s32 @!p0 $0x88, s6;
	s7 =	simm.s32 @p2 $0x1082  }
0x22: {  	[simem:s7], [sflag:s8] =	dma.local @!p0 [hbm:s6], $0xF7A  }
0x23: {  	s9 =	sor.u32 $0xD0000000, s2;
	s6 =	simm.s32 $0x108;
	_ =	swait.ge @!p0 [sflag:s8], $0x0  }
0x24: {  	s3 =	sadd.s32 $0x88, s3;
	s6 =	simm.s32 @!p1 $0x1082;
	[sflag:s4] =	ssyncset.s32 $0xFFFFF086  }
0x25: {  	[simem:s6], [sflag:s4] =	dma.local [hbm:s3], $0xF7A  }
0x26: {  	[smem:$0x3F99] =	sst s1;
	(tag) =	ssettag s2;
	_ =	strace s9  }
0x27: {  	s1 =	sld [smem:$0x3FA9]  }
0x28: {  	s2 =	sld [smem:$0x3FAA]  }
0x29: {  	s4 =	sld [smem:$0x3FAC]  }
0x2a: {  	p0 =	seq.s32 s5, $0x0;
	s5 =	sld [smem:$0x3FAD]  }
0x2b: {  	s6 =	sld [smem:$0x3FAE]  }
0x2c: {  	s7 =	sld [smem:$0x3FAF]  }
0x2d: {  	s3 =	simm.s32 $0x108;
	s8 =	sld [smem:$0x3FB0]  }
0x2e: {  	s3 =	simm.s32 @!p0 $0x1082;
	s9 =	sld [smem:$0x3FB1]  }
0x2f: {  	lr =	sadd.s32 s0, s3;
	s0 =	sld [smem:$0x3FA8]  }
0x30: {  	s3 =	sld [smem:$0x3FAB]  }
0x31: {  	[smem:$0x3FB4] =	sst s10  }
0x32: {  	s10 =	sld [smem:$0x3FB2];
	_ =	sdelay $0x3  }
0x33: {  	p0 =	seq.s32 s10, $0x1;
	s10 =	sld [smem:$0x3FB4];
	_ =	sdelay $0x3  }
0x34: {  	[smem:$0x3FB4] =	sst s10  }
0x35: {  	s10 =	sld [smem:$0x3FB3];
	_ =	sdelay $0x3  }
0x36: {  	p1 =	seq.s32 s10, $0x1;
	s10 =	sld [smem:$0x3FB4];
	_ =	sdelay $0x3  }
0x37: {  	[smem:$0x3FB4] =	sst s10  }
0x38: {  	s10 =	sld [smem:$0x3FB5]  }
0x39: {  	_ = 	snop;
	(pc) =	sbr.ind lr, $3  }
0x3a: {  	_ = 	snop  }
0x3b: {  	_ = 	snop  }
0x3c: {  	p2 =	seq.s32 s10, $0x1;
	s10 =	sld [smem:$0x3FB4]  }
0x3d: {  	_ =	shalt  }
0x3e: {  	_ =	shalt  }
0x3f: {  	_ =	shalt  }
0x40: {  	_ =	shalt  }
0x41: {  	_ =	shalt  }
0x42: {  	_ =	shalt  }
0x43: {  	_ =	shalt  }
0x44: {  	_ =	shalt  }
0x45: {  	_ =	shalt  }
0x46: {  	_ =	shalt  }
0x47: {  	_ =	shalt  }
0x48: {  	_ =	shalt  }
0x49: {  	_ =	shalt  }
0x4a: {  	_ =	shalt  }
0x4b: {  	_ =	shalt  }
0x4c: {  	_ =	shalt  }
0x4d: {  	_ =	shalt  }
0x4e: {  	_ =	shalt  }
0x4f: {  	_ =	shalt  }
0x50: {  	_ =	shalt  }
0x51: {  	_ =	shalt  }
0x52: {  	_ =	shalt  }
0x53: {  	_ =	shalt  }
0x54: {  	_ =	shalt  }
0x55: {  	_ =	shalt  }
0x56: {  	_ =	shalt  }
0x57: {  	_ =	shalt  }
0x58: {  	_ =	shalt  }
0x59: {  	_ =	shalt  }
0x5a: {  	_ =	shalt  }
0x5b: {  	_ =	shalt  }
0x5c: {  	_ =	shalt  }
0x5d: {  	_ =	shalt  }
0x5e: {  	_ =	shalt  }
0x5f: {  	_ =	shalt  }
0x60: {  	_ =	shalt  }
0x61: {  	_ =	shalt  }
0x62: {  	_ =	shalt  }
0x63: {  	_ =	shalt  }
0x64: {  	_ =	shalt  }
0x65: {  	_ =	shalt  }
0x66: {  	_ =	shalt  }
0x67: {  	_ =	shalt  }
0x68: {  	_ =	shalt  }
0x69: {  	_ =	shalt  }
0x6a: {  	_ =	shalt  }
0x6b: {  	_ =	shalt  }
0x6c: {  	_ =	shalt  }
0x6d: {  	_ =	shalt  }
0x6e: {  	_ =	shalt  }
0x6f: {  	_ =	shalt  }
0x70: {  	_ =	shalt  }
0x71: {  	_ =	shalt  }
0x72: {  	_ =	shalt  }
0x73: {  	_ =	shalt  }
0x74: {  	_ =	shalt  }
0x75: {  	_ =	shalt  }
0x76: {  	_ =	shalt  }
0x77: {  	_ =	shalt  }
0x78: {  	_ =	shalt  }
0x79: {  	_ =	shalt  }
0x7a: {  	_ =	shalt  }
0x7b: {  	_ =	shalt  }
0x7c: {  	_ =	shalt  }
0x7d: {  	_ =	shalt  }
0x7e: {  	_ =	shalt  }
0x7f: {  	_ =	shalt  }
0x80: {  	_ =	shalt  }
0x81: {  	_ =	shalt  }
0x82: {  	_ =	shalt  }
0x83: {  	_ =	shalt  }
0x84: {  	_ =	shalt  }
0x85: {  	_ =	shalt  }
0x86: {  	_ =	shalt  }
0x87: {  	_ =	shalt  }
.Lfunc_end0:
.L_simem_size_0:
called_computation_lowered:
.L_overlay_start_0:
0x88: {  	s2 =	sld [smem:$0x3FD9]  }
0x89: {  	s3 =	sld [smem:$0x3FFE];
	_ =	sdelay $0x1  }
0x8a: {  	s1 =	srdreg.scid  }
0x8b: {  	s0 =	sand.u32 $0x1, s1  }
0x8c: {  	s17 =	sshll.u32 s0, $0xA;
	s2 =	sadd.s32 s3, s2  }
0x8d: {  	s2 =	sadd.s32 s2, s17  }
0x8e: {  	[smem:$0x3FC0] =	sst s2  }
0x8f: {  	_ = 	snop  }
0x90: {  	s2 =	sld [smem:$0x3FC9];
	(tm) =	ssettm $0x1  }
0x91: {  	s18 =	sld [smem:$0x3FFB];
	_ =	sdelay $0x3  }
0x92: {  	_ =	strace s18  }
0x93: {  	s3 =	sld [smem:$0x3FFC];
	_ =	sdelay $0x3  }
0x94: {  	_ =	strace s3  }
0x95: {  	s3 =	sld [smem:$0x3FFD];
	_ =	sdelay $0x3  }
0x96: {  	_ =	strace s3  }
0x97: {  	_ =	strace $0x8FFFFFFF  }
0x98: {  	s19 =	sld [smem:$0x3FDB];
	_ =	sdelay $0x1  }
0x99: {  	s4 =	simm.s32 $_scs_section_size  }
0x9a: {  	s5 =	simm.s32 $_size__tile_overlayer_lowered;
	s6 =	simm.s32 $_tile_overlayer_lowered  }
0x9b: {  	s22 =	simm.s32 $0x1BFF;
	s21 =	sshll.u32 s6, $0x1;
	s3 =	sadd.s32 s4, s19  }
0x9c: {  	s7 =	simm.s32 $0x0;
	s20 =	sshll.u32 s5, $0x1;
	s5 =	sadd.s32 s21, s3  }
0x9d: {  	[timem:s7], [sflag:s22] =	dma.local [hbm:s5], s20  }
0x9e: {  	_ =	swait.ge [sflag:s22], s20  }
0x9f: {  	s4 =	ssub.s32 $0x0, s20;
	[sflag:s22] =	ssyncset.done $0x0  }
0xa0: {  	[sflag:s22] =	ssyncadd.s32 s4;
	_ =	sdelay $0x1  }
0xa1: {  	s23 =	simm.s32 $0x1B8B  }
0xa2: {  	_ =	swait.ge [sflag:s23], $0x1  }
0xa3: {  	[sflag:s23] =	ssyncset.done $0x0  }
0xa4: {  	s25 =	simm.s32 $0x1B8E;
	s24 =	sld [smem:$0x3FFE];
	[sflag:s23] =	ssyncadd.s32 $0xFFFFFFFF  }
0xa5: {  	s26 =	simm.s32 $execute0_lowered;
	[smem:$0x3FD2] =	sst s25  }
0xa6: {  	s5 =	sshll.u32 s26, $0x1;
	_ =	strace $0x80000046;
	[dreg:$0x1] =	wrdreg $0xFFFFFFFF  }
0xa7: {  	s28 =	simm.s32 $_size_execute0_lowered;
	s3 =	sadd.s32 s3, s5;
	[dreg:$0x0] =	wrdreg $0x0  }
0xa8: {  	s5 =	sshll.u32 s28, $0x1;
	[dreg:$0x2] =	wrdreg s3  }
0xa9: {  	[dreg:$0x3] =	wrdreg s5  }
0xaa: {  	[dreg:$0x4] =	wrdreg $0xC0  }
0xab: {  	_ =	task [dreg:s7], $0x5FFFF  }
0xac: {  	[dreg:$0x1] =	wrdreg $0xFFFFFFFF  }
0xad: {  	[dreg:$0x0] =	wrdreg $0x60  }
0xae: {  	[dreg:$0x2] =	wrdreg s2  }
0xaf: {  	[dreg:$0x3] =	wrdreg s24  }
0xb0: {  	[dreg:$0x4] =	wrdreg $0x9  }
0xb1: {  	_ =	task.clear_ibuf [dreg:s7], $0x5FFFF;
	_ =	strace $0x90000046  }
0xb2: {  	s29 =	simm.s32 $0x9;
	_ =	strace $0x80000048  }
0xb3: {  	_ =	swait.ge [sflag:s29], $0x1  }
0xb4: {  	[sflag:s29] =	ssyncadd.s32 $0xFFFFFFFF  }
0xb5: {  	_ =	strace $0x90000048  }
0xb6: {  	_ =	sfence  }
0xb7: {  	s30 =	sld [smem:$0x0];
	_ =	sdelay $0x2  }
0xb8: {  	s31 =	sshll.u32 s1, $0xD;
	s1 =	sshrl.u32 s1, $0x2  }
0xb9: {  	s3 =	sand.u32 $0x4000, s31;
	s1 =	sadd.s32 s1, s30  }
0xba: {  	s0 =	sor.u32 s3, s0;
	s1 =	sshll.u32 s1, $0x11  }
0xbb: {  	s0 =	sor.u32 s1, s0  }
0xbc: {  	s0 =	sadd.s32 $0x8F2B, s0  }
0xbd: {  	[sflag:s0] =	ssyncadd.remote.s32 $0x1  }
0xbe: {  	_ =	sfence.sel $0xFFFF  }
0xbf: {  	[dreg:$0x0] =	wrdreg $0xFFFFFFFF;
	(pc) =	sbr.abs _section_cstart, $3  }
0xc0: {  	[dreg:$0x1] =	wrdreg $0xFFFFFFFF  }
0xc1: {  	_ =	task.clear_ibuf [dreg:s7], $0x2FFFF;
	_ =	strace $0x9FFFFFFF  }
0xc2: {  	(tm) =	ssettm $0x7FFFFFFF  }
0xc3: {  	_ =	shalt  }
tec
execute0_lowered:
.L_overlay_start_1:
0x0: {  	(tag) =	ssettag $0x1  }
0x1: {  	s1 =	rddreg [dreg:$0x0]  }
0x2: {  	s4 =	rddreg [dreg:$0x1]  }
0x3: {  	s0 =	rddreg [dreg:$0x2];
	s5 =	srdreg.scid  }
0x4: {  	s3 =	simm.s32 $0x0;
	s2 =	stileid.u32;
	s9 =	simm.s32 $0x880  }
0x5: {  	s10 =	simm.s32 $0x1080;
	s11 =	simm.s32 $0x1880;
	s12 =	simm.s32 $0x2080  }
0x6: {  	s13 =	simm.s32 $0x2880;
	s14 =	simm.s32 $0x3080;
	s15 =	simm.s32 $0x3880  }
0x7: {  	s16 =	simm.s32 $0x4080;
	s17 =	simm.s32 $0x4880;
	s18 =	simm.s32 $0x5080  }
0x8: {  	s19 =	simm.s32 $0x5880;
	s20 =	simm.s32 $0x6080;
	s21 =	simm.s32 $0x6880  }
0x9: {  	s22 =	simm.s32 $0x7080;
	s23 =	simm.s32 $0x7880;
	s5 =	sand.u32 $0x1, s5  }
0xa: {  	[smem:$0x7FF] =	sst s3;
	s6 =	sshll.u32 s2, $0x8;
	s7 =	sshll.u32 s5, $0x7  }
0xb: {  	s24 =	simm.s32 $0x1;
	_ =	strace $0x80000047;
	s6 =	sor.u32 s7, s6  }
0xc: {  	s5 =	ssub.s32 $0x2, s5;
	s7 =	sshrl.u32 s6, $0x3;
	s6 =	sshll.u32 s6, $0x5  }
0xd: {  	v2 =	vlaneseq.u32;
	s8 =	sshrl.u32 s5, $0x1;
	s7 =	sadd.s32 s7, s4;
	s6 =	sadd.s32 s6, s4  }
0xe: {  	vm0 =	vmmov $0xffff;
	v1 =	vshrl.u32 v2, $0x3;
	s8 =	ssub.s32 s5, s8;
	s4 =	sadd.s32 $0x1A00, s7;
	s5 =	sadd.s32 $0x1C00, s6  }
0xf: {  	v0 =	vand.u32 $0x7, v2;
	v2 =	vor.u32 $0x8, v2;
	v1 =	vmul.u32 $0x8, v1;
	s6 =	smax.u32 s8, $0x1;
	s7 =	simm.s32 $0x2;
	s8 =	simm.s32 $0x80  }
.LBB2_1:
0x10: {  	[tilespmem:s3], [sflag:$0x2] =	stream.linear.gather [hbm4b:s4+s3], $0x80, $0x38;
	[tilespmem:$0x8080] =	vst v63  }
0x11: {  	_ =	swait.ge [sflag:s7], $0x80  }
0x12: {  	[sflag:s7] =	ssyncset.done $0x0  }
0x13: {  	[sflag:s7] =	ssyncadd.s32 $0xFFFFFF80  }
0x14: {  	v3 =	vld [tilespmem:$0x0];
	_ =	sdelay $0x4  }
0x15: {  	v4 =	vshll.u32 v3, $0x1  }
0x16: {  	v3 =	vand.u32 $0x7, v3;
	v4 =	vand.u32 $0xFFFFFFF0, v4  }
0x17: {  	v3 =	vor.u32 v3, v4  }
0x18: {  	v4 =	vperm.xlane v3, v0;
	_ =	sdelay $0x1  }
0x19: {  	v3 =	vperm.xlane v3, v2;
	v4 =	vadd.s32 v1, v4;
	_ =	sdelay $0x1  }
0x1a: {  	v3 =	vadd.s32 v1, v3;
	_ =	sdelay $0x2  }
0x1b: {  	[tilespmem:s8], [sflag:$0x1] =	stream.indirect_vreg.gather [hbm4b:s1+s3], $0x80, v4, vm0, $0xb8;
	[tilespmem:$0x8080] =	vst v63  }
0x1c: {  	_ = 	snop  }
0x1d: {  	[tilespmem:s9], [sflag:$0x1] =	stream.indirect_vreg.gather [hbm4b:s1+s3], $0x80, v3, vm0, $0xb8;
	[tilespmem:$0x8080] =	vst v63  }
0x1e: {  	v3 =	vld [tilespmem:$0x10];
	_ =	sdelay $0x4  }
0x1f: {  	v57 =	vshll.u32 v3, $0x1  }
0x20: {  	v3 =	vand.u32 $0x7, v3;
	v4 =	vand.u32 $0xFFFFFFF0, v57  }
0x21: {  	v3 =	vor.u32 v3, v4  }
0x22: {  	v4 =	vperm.xlane v3, v0;
	_ =	sdelay $0x1  }
0x23: {  	v3 =	vperm.xlane v3, v2;
	v4 =	vadd.s32 v1, v4;
	_ =	sdelay $0x1  }
0x24: {  	v3 =	vadd.s32 v1, v3;
	_ =	sdelay $0x2  }
0x25: {  	[tilespmem:s10], [sflag:$0x1] =	stream.indirect_vreg.gather [hbm4b:s1+s3], $0x80, v4, vm0, $0xb8;
	[tilespmem:$0x8080] =	vst v63  }
0x26: {  	_ = 	snop  }
0x27: {  	[tilespmem:s11], [sflag:$0x1] =	stream.indirect_vreg.gather [hbm4b:s1+s3], $0x80, v3, vm0, $0xb8;
	[tilespmem:$0x8080] =	vst v63  }
0x28: {  	v3 =	vld [tilespmem:$0x20];
	_ =	sdelay $0x4  }
0x29: {  	v58 =	vshll.u32 v3, $0x1  }
0x2a: {  	v3 =	vand.u32 $0x7, v3;
	v4 =	vand.u32 $0xFFFFFFF0, v58  }
0x2b: {  	v3 =	vor.u32 v3, v4  }
0x2c: {  	v4 =	vperm.xlane v3, v0;
	_ =	sdelay $0x1  }
0x2d: {  	v3 =	vperm.xlane v3, v2;
	v4 =	vadd.s32 v1, v4;
	_ =	sdelay $0x1  }
0x2e: {  	v3 =	vadd.s32 v1, v3;
	_ =	sdelay $0x2  }
0x2f: {  	[tilespmem:s12], [sflag:$0x1] =	stream.indirect_vreg.gather [hbm4b:s1+s3], $0x80, v4, vm0, $0xb8;
	[tilespmem:$0x8080] =	vst v63  }
0x30: {  	_ = 	snop  }
0x31: {  	[tilespmem:s13], [sflag:$0x1] =	stream.indirect_vreg.gather [hbm4b:s1+s3], $0x80, v3, vm0, $0xb8;
	[tilespmem:$0x8080] =	vst v63  }
0x32: {  	v3 =	vld [tilespmem:$0x30];
	_ =	sdelay $0x4  }
0x33: {  	v59 =	vshll.u32 v3, $0x1  }
0x34: {  	v3 =	vand.u32 $0x7, v3;
	v4 =	vand.u32 $0xFFFFFFF0, v59  }
0x35: {  	v3 =	vor.u32 v3, v4  }
0x36: {  	v4 =	vperm.xlane v3, v0;
	_ =	sdelay $0x1  }
0x37: {  	v3 =	vperm.xlane v3, v2;
	v4 =	vadd.s32 v1, v4;
	_ =	sdelay $0x1  }
0x38: {  	v3 =	vadd.s32 v1, v3;
	_ =	sdelay $0x2  }
0x39: {  	[tilespmem:s14], [sflag:$0x1] =	stream.indirect_vreg.gather [hbm4b:s1+s3], $0x80, v4, vm0, $0xb8;
	[tilespmem:$0x8080] =	vst v63  }
0x3a: {  	_ = 	snop  }
0x3b: {  	[tilespmem:s15], [sflag:$0x1] =	stream.indirect_vreg.gather [hbm4b:s1+s3], $0x80, v3, vm0, $0xb8;
	[tilespmem:$0x8080] =	vst v63  }
0x3c: {  	v3 =	vld [tilespmem:$0x40];
	_ =	sdelay $0x4  }
0x3d: {  	v60 =	vshll.u32 v3, $0x1  }
0x3e: {  	v3 =	vand.u32 $0x7, v3;
	v4 =	vand.u32 $0xFFFFFFF0, v60  }
0x3f: {  	v3 =	vor.u32 v3, v4  }
0x40: {  	v4 =	vperm.xlane v3, v0;
	_ =	sdelay $0x1  }
0x41: {  	v3 =	vperm.xlane v3, v2;
	v4 =	vadd.s32 v1, v4;
	_ =	sdelay $0x1  }
0x42: {  	v3 =	vadd.s32 v1, v3;
	_ =	sdelay $0x2  }
0x43: {  	[tilespmem:s16], [sflag:$0x1] =	stream.indirect_vreg.gather [hbm4b:s1+s3], $0x80, v4, vm0, $0xb8;
	[tilespmem:$0x8080] =	vst v63  }
0x44: {  	_ = 	snop  }
0x45: {  	[tilespmem:s17], [sflag:$0x1] =	stream.indirect_vreg.gather [hbm4b:s1+s3], $0x80, v3, vm0, $0xb8;
	[tilespmem:$0x8080] =	vst v63  }
0x46: {  	v3 =	vld [tilespmem:$0x50];
	_ =	sdelay $0x4  }
0x47: {  	v61 =	vshll.u32 v3, $0x1  }
0x48: {  	v3 =	vand.u32 $0x7, v3;
	v4 =	vand.u32 $0xFFFFFFF0, v61  }
0x49: {  	v3 =	vor.u32 v3, v4  }
0x4a: {  	v4 =	vperm.xlane v3, v0;
	_ =	sdelay $0x1  }
0x4b: {  	v3 =	vperm.xlane v3, v2;
	v4 =	vadd.s32 v1, v4;
	_ =	sdelay $0x1  }
0x4c: {  	v3 =	vadd.s32 v1, v3;
	_ =	sdelay $0x2  }
0x4d: {  	[tilespmem:s18], [sflag:$0x1] =	stream.indirect_vreg.gather [hbm4b:s1+s3], $0x80, v4, vm0, $0xb8;
	[tilespmem:$0x8080] =	vst v63  }
0x4e: {  	_ = 	snop  }
0x4f: {  	[tilespmem:s19], [sflag:$0x1] =	stream.indirect_vreg.gather [hbm4b:s1+s3], $0x80, v3, vm0, $0xb8;
	[tilespmem:$0x8080] =	vst v63  }
0x50: {  	v3 =	vld [tilespmem:$0x60];
	_ =	sdelay $0x4  }
0x51: {  	v62 =	vshll.u32 v3, $0x1  }
0x52: {  	v3 =	vand.u32 $0x7, v3;
	v4 =	vand.u32 $0xFFFFFFF0, v62  }
0x53: {  	v3 =	vor.u32 v3, v4  }
0x54: {  	v4 =	vperm.xlane v3, v0;
	_ =	sdelay $0x1  }
0x55: {  	v3 =	vperm.xlane v3, v2;
	v4 =	vadd.s32 v1, v4;
	_ =	sdelay $0x1  }
0x56: {  	v3 =	vadd.s32 v1, v3;
	_ =	sdelay $0x2  }
0x57: {  	[tilespmem:s20], [sflag:$0x1] =	stream.indirect_vreg.gather [hbm4b:s1+s3], $0x80, v4, vm0, $0xb8;
	[tilespmem:$0x8080] =	vst v63  }
0x58: {  	_ = 	snop  }
0x59: {  	[tilespmem:s21], [sflag:$0x1] =	stream.indirect_vreg.gather [hbm4b:s1+s3], $0x80, v3, vm0, $0xb8;
	[tilespmem:$0x8080] =	vst v63  }
0x5a: {  	v3 =	vld [tilespmem:$0x70];
	_ =	sdelay $0x4  }
0x5b: {  	v63 =	vshll.u32 v3, $0x1  }
0x5c: {  	v3 =	vand.u32 $0x7, v3;
	v4 =	vand.u32 $0xFFFFFFF0, v63  }
0x5d: {  	v3 =	vor.u32 v3, v4  }
0x5e: {  	v4 =	vperm.xlane v3, v0;
	_ =	sdelay $0x1  }
0x5f: {  	v3 =	vperm.xlane v3, v2;
	v4 =	vadd.s32 v1, v4;
	_ =	sdelay $0x1  }
0x60: {  	v3 =	vadd.s32 v1, v3;
	_ =	sdelay $0x2  }
0x61: {  	[tilespmem:s22], [sflag:$0x1] =	stream.indirect_vreg.gather [hbm4b:s1+s3], $0x80, v4, vm0, $0xb8;
	[tilespmem:$0x8080] =	vst v63  }
0x62: {  	_ = 	snop  }
0x63: {  	[tilespmem:s23], [sflag:$0x1] =	stream.indirect_vreg.gather [hbm4b:s1+s3], $0x80, v3, vm0, $0xb8;
	[tilespmem:$0x8080] =	vst v63  }
0x64: {  	_ =	swait.ge [sflag:s24], $0x8000  }
0x65: {  	p0 =	sne.s32 s6, $0x1;
	[sflag:s24] =	ssyncset.done $0x0  }
.Ltmp0:
0x66: {  	[sflag:s24] =	ssyncadd.s32 $0xFFFF8000;
	(pc) =	sbr.rel @p0 .LBB2_1-.Ltmp0, $4  }
0x67: {  	[hbm4b:s5+s3] =	stream.linear.scatter [tilespmem:s8], [sflag:$0x2], $0x8000, $0x38;
	[tilespmem:$0x8080] =	vst v63  }
0x68: {  	_ =	swait.ge [sflag:s7], $0x8000  }
0x69: {  	[sflag:s7] =	ssyncset.done $0x0  }
0x6a: {  	s6 =	sadd.s32 $0xFFFFFFFF, s6;
	[sflag:s7] =	ssyncadd.s32 $0xFFFF8000  }
0x6b: {  	_ =	sfence.sel $0x180000  }
0x6c: {  	[bflag:$0x0] =	sbarrier.arrive $0xFFFF  }
0x6d: {  	p0 =	sne.s32 s2, $0x0;
	_ =	strace $0x90000047  }
0x6e: {  	s0 =	sadd.s32 @!p0 $0x100000, s0;
	[bflag:$0x2] =	sbarrier.arrive $0xFFFF  }
0x6f: {  	[sflag:s0] =	ssyncadd.tile.s32 @!p0 $0x1;
	_ =	shalt  }
.Lfunc_end2:
_tile_overlayer_lowered:
.L_overlay_start_2:
0x70: {  	(tag) =	ssettag $0x2  }
0x71: {  	s0 =	rddreg [dreg:$0x0];
	s2 =	stileid.u32  }
0x72: {  	s1 =	rddreg [dreg:$0x1];
	p0 =	sne.s32 s2, $0x0  }
0x73: {  	s3 =	rddreg [dreg:$0x2];
	[bflag:$0x3] =	sbarrier.arrive $0xFFFF;
	s2 =	simm.s32 @!p0 $0x1C02  }
0x74: {  	[timem:s3], [sflag:s2] =	dma.local @!p0 [hbm:s0], s1  }
0x75: {  	s0 =	simm.s32 @!p0 $0x2  }
0x76: {  	_ =	swait.ge @!p0 [sflag:s0], s1  }
0x77: {  	s1 =	ssub.s32 @!p0 $0x0, s1;
	[sflag:s0] =	ssyncset.done @!p0 $0x0  }
0x78: {  	[sflag:s0] =	ssyncadd.s32 @!p0 s1  }
0x79: {  	[bflag:$0x3] =	sbarrier.arrive $0xFFFF  }
0x7a: {  	_ =	shalt  }

</sc_bundles>
